<compile_context>
chip_gen: v7x
topology: tpu7x:2x2x1
jax: 0.10.2.dev20260603
libtpu: 0.0.44.dev20260713+nightly
codegen_flags: <defaults>
</compile_context>

<pallas_src>
import functools

import jax
import jax.numpy as jnp
from jax import lax
from jax.experimental import pallas as pl
from jax.experimental.pallas import tpu as pltpu
from jax.experimental.pallas import tpu_sc as plsc

N = 10000
E = 320000
D_IN = 128
D_HID = 128
D_OUT = 64
EPS = 1e-5

NC = 2
NS = 16
NW = NC * NS
LANES = 16
CHUNK = 128

EW = ((E + NW * CHUNK - 1) // (NW * CHUNK)) * CHUNK
E_PAD = EW * NW
NCH = EW // CHUNK

ROWS_PER_TILE = 640
N_ACC = NS * ROWS_PER_TILE

_mesh = plsc.VectorSubcoreMesh(core_axis_name="c", subcore_axis_name="s")


@functools.partial(
    pl.kernel,
    out_type=jax.ShapeDtypeStruct((NC, N_ACC), jnp.float32),
    mesh=_mesh,
    scratch_types=[
        pltpu.VMEM((CHUNK,), jnp.int32),
        pltpu.VMEM((CHUNK,), jnp.float32),
        pltpu.VMEM_SHARED((N_ACC,), jnp.float32),
    ],
)
def _sc_degree(dst_hbm, zeros_hbm, out_hbm, idx_v, ones_v, acc_sh):
    cid = lax.axis_index("c")
    sid = lax.axis_index("s")
    wid = cid * NS + sid
    for i in range(CHUNK // LANES):
        ones_v[pl.ds(i * LANES, LANES)] = jnp.ones((LANES,), jnp.float32)
    r0 = sid * ROWS_PER_TILE
    pltpu.sync_copy(zeros_hbm.at[pl.ds(r0, ROWS_PER_TILE)],
                    acc_sh.at[pl.ds(r0, ROWS_PER_TILE)])
    plsc.subcore_barrier()
    base0 = wid * EW

    @pl.loop(0, NCH)
    def _(j):
        base = base0 + j * CHUNK
        pltpu.sync_copy(dst_hbm.at[pl.ds(base, CHUNK)], idx_v)
        pltpu.sync_copy(ones_v, acc_sh.at[idx_v], add=True)

    plsc.subcore_barrier()
    pltpu.sync_copy(acc_sh.at[pl.ds(r0, ROWS_PER_TILE)],
                    out_hbm.at[cid, pl.ds(r0, ROWS_PER_TILE)])


def _make_sc_aggregate(D):
    @functools.partial(
        pl.kernel,
        out_type=jax.ShapeDtypeStruct((NC, N_ACC, D), jnp.float32),
        mesh=_mesh,
        scratch_types=[
            pltpu.VMEM((CHUNK,), jnp.int32),
            pltpu.VMEM((CHUNK,), jnp.int32),
            pltpu.VMEM((CHUNK, D), jnp.float32),
            pltpu.VMEM_SHARED((N_ACC, D), jnp.float32),
            pltpu.SemaphoreType.DMA,
        ],
    )
    def _sc_aggregate(src_hbm, dst_hbm, table_hbm, zeros_hbm, out_hbm,
                      sidx, didx, rows, acc_sh, sem):
        cid = lax.axis_index("c")
        sid = lax.axis_index("s")
        wid = cid * NS + sid
        r0 = sid * ROWS_PER_TILE
        pltpu.sync_copy(zeros_hbm.at[pl.ds(r0, ROWS_PER_TILE)],
                        acc_sh.at[pl.ds(r0, ROWS_PER_TILE)])
        plsc.subcore_barrier()
        base0 = wid * EW

        @pl.loop(0, NCH)
        def _(j):
            base = base0 + j * CHUNK
            pltpu.sync_copy(src_hbm.at[pl.ds(base, CHUNK)], sidx)
            cp = pltpu.async_copy(table_hbm.at[sidx], rows, sem)
            pltpu.sync_copy(dst_hbm.at[pl.ds(base, CHUNK)], didx)
            cp.wait()
            pltpu.sync_copy(rows, acc_sh.at[didx], add=True)

        plsc.subcore_barrier()
        pltpu.sync_copy(acc_sh.at[pl.ds(r0, ROWS_PER_TILE)],
                        out_hbm.at[cid, pl.ds(r0, ROWS_PER_TILE)])

    return _sc_aggregate


_sc_aggregate_hid = _make_sc_aggregate(D_HID)


def _tc_pre(degp, x, W1):
    def body(degp_ref, x_ref, w_ref, dinv_ref, hs_ref):
        deg = degp_ref[0, :N, :] + degp_ref[1, :N, :] + 1.0
        dinv = lax.rsqrt(deg)
        h = jnp.dot(x_ref[...], w_ref[...], preferred_element_type=jnp.float32)
        dinv_ref[...] = dinv
        hs_ref[...] = h * dinv

    return pl.pallas_call(
        body,
        out_shape=(jax.ShapeDtypeStruct((N, 1), jnp.float32),
                   jax.ShapeDtypeStruct((N, D_HID), jnp.float32)),
    )(degp, x, W1)


def _tc_mid(aggp, hs1, dinv, b1, gamma, beta):
    def body(aggp_ref, hs1_ref, dinv_ref, b1_ref, g_ref, be_ref, hs2_ref):
        agg = aggp_ref[0, :N, :] + aggp_ref[1, :N, :]
        dinv = dinv_ref[...]
        h = dinv * (agg + hs1_ref[...]) + b1_ref[...]
        mean = jnp.mean(h, axis=0, keepdims=True)
        cen = h - mean
        var = jnp.mean(cen * cen, axis=0, keepdims=True)
        h = cen * lax.rsqrt(var + EPS) * g_ref[...] + be_ref[...]
        h = jnp.maximum(h, 0.0)
        hs2_ref[...] = h * dinv

    return pl.pallas_call(
        body,
        out_shape=jax.ShapeDtypeStruct((N, D_HID), jnp.float32),
    )(aggp, hs1, dinv, b1, gamma, beta)


def _tc_post(aggp, hs2, dinv, W2, b2):
    def body(aggp_ref, hs2_ref, dinv_ref, w2_ref, b2_ref, out_ref):
        agg = aggp_ref[0, :N, :] + aggp_ref[1, :N, :]
        t = dinv_ref[...] * (agg + hs2_ref[...])
        out_ref[...] = jnp.dot(t, w2_ref[...],
                               preferred_element_type=jnp.float32) + b2_ref[...]

    return pl.pallas_call(
        body,
        out_shape=jax.ShapeDtypeStruct((N, D_OUT), jnp.float32),
    )(aggp, hs2, dinv, W2, b2)


def kernel(x, edge_index, W1, b1, gamma, beta, W2, b2):
    src = edge_index[0]
    dst = edge_index[1]
    pad = E_PAD - E
    srcp = jnp.concatenate([src, jnp.zeros((pad,), jnp.int32)])
    dstp = jnp.concatenate([dst, jnp.full((pad,), N, jnp.int32)])

    zeros1 = jnp.zeros((N_ACC,), jnp.float32)
    degp = _sc_degree(dstp, zeros1)
    dinv, hs1 = _tc_pre(degp.reshape(NC, N_ACC, 1), x, W1)

    zeros_h = jnp.zeros((N_ACC, D_HID), jnp.float32)
    aggp1 = _sc_aggregate_hid(srcp, dstp, hs1, zeros_h)
    hs2 = _tc_mid(aggp1, hs1, dinv,
                  b1.reshape(1, D_HID), gamma.reshape(1, D_HID),
                  beta.reshape(1, D_HID))

    aggp2 = _sc_aggregate_hid(srcp, dstp, hs2, zeros_h)
    out = _tc_post(aggp2, hs2, dinv, W2, b2.reshape(1, D_OUT))
    return out

# --- scband reference (transcript-rebuilt; emitter-appended) ---
"""Pipeline reference for scband-gnnencoder-31421980737623 (READ-ONLY COPY).

The authoritative reference and input builder live on the scoring server;
editing this copy changes nothing except your own understanding.
"""

import jax, jax.numpy as jnp
import numpy as np

N = 10000
E = 320000
D_IN = 128
D_HID = 128
D_OUT = 64
EPS = 1e-5


def gcn_conv(x, W, b, src, dst, n):
    # PyG GCNConv: add self-loops, symmetric normalization, scatter-add aggregate
    h = x @ W
    loop = jnp.arange(n, dtype=src.dtype)
    src_a = jnp.concatenate([src, loop])
    dst_a = jnp.concatenate([dst, loop])
    deg = jax.ops.segment_sum(jnp.ones(src_a.shape[0], dtype=x.dtype), dst_a, num_segments=n)
    dinv = jnp.where(deg > 0, deg ** -0.5, 0.0)
    norm = dinv[src_a] * dinv[dst_a]
    msg = h[src_a] * norm[:, None]
    out = jax.ops.segment_sum(msg, dst_a, num_segments=n)
    return out + b


def setup_inputs(seed: int = 0) -> dict:
    key = jax.random.key(seed)
    ks = jax.random.split(key, 8)
    x = jax.random.normal(ks[0], (N, D_IN), dtype=jnp.float32)
    edge_index = jax.random.randint(ks[1], (2, E), 0, N, dtype=jnp.int32)
    W1 = jax.random.normal(ks[2], (D_IN, D_HID), dtype=jnp.float32) * (1.0 / np.sqrt(D_IN))
    b1 = jnp.zeros((D_HID,), dtype=jnp.float32)
    gamma = jnp.ones((D_HID,), dtype=jnp.float32)
    beta = jnp.zeros((D_HID,), dtype=jnp.float32)
    W2 = jax.random.normal(ks[3], (D_HID, D_OUT), dtype=jnp.float32) * (1.0 / np.sqrt(D_HID))
    b2 = jnp.zeros((D_OUT,), dtype=jnp.float32)
    return {"x": x, "edge_index": edge_index, "W1": W1, "b1": b1,
            "gamma": gamma, "beta": beta, "W2": W2, "b2": b2}


def reference(x, edge_index, W1, b1, gamma, beta, W2, b2):
    src = edge_index[0]
    dst = edge_index[1]
    n = x.shape[0]
    # layer 1: GCNConv -> BatchNorm1d (batch stats) -> ReLU (dropout = identity in eval)
    h = gcn_conv(x, W1, b1, src, dst, n)
    mean = jnp.mean(h, axis=0)
    var = jnp.var(h, axis=0)
    h = (h - mean) / jnp.sqrt(var + EPS) * gamma + beta
    h = jax.nn.relu(h)
    # layer 2: GCNConv (no BN/act on final layer)
    out = gcn_conv(h, W2, b2, src, dst, n)
    return out

if __name__ == "__main__":
    import jax
    _d = setup_inputs()
    print(jax.jit(kernel)(*tuple(_d.values())))

</pallas_src>

<mosaic_0001>
#map = affine_map<(d0, d1) -> (0)>
#map1 = affine_map<(d0, d1) -> (0, 0)>
#map2 = affine_map<(d0, d1) -> (0, 0, 0)>
module attributes {stable_mosaic.version = 14 : i64} {
  func.func @_sc_aggregate(%arg0: i32, %arg1: i32, %arg2: memref<323584xi32, #tpu.memory_space<hbm>>, %arg3: memref<323584xi32, #tpu.memory_space<hbm>>, %arg4: memref<10000x128xf32, #tpu.memory_space<hbm>>, %arg5: memref<10240x128xf32, #tpu.memory_space<hbm>>, %arg6: memref<2x10240x128xf32, #tpu.memory_space<hbm>>, %arg7: memref<128xi32, #tpu.memory_space<vmem>>, %arg8: memref<128xi32, #tpu.memory_space<vmem>>, %arg9: memref<128x128xf32, #tpu.memory_space<vmem>>, %arg10: memref<10240x128xf32, #tpu.memory_space<vmem_shared>>, %arg11: memref<!tpu.dma_semaphore, #tpu.memory_space<semaphore_mem>>) attributes {dimension_semantics = [#tpu.dimension_semantics<core_parallel>, #tpu.dimension_semantics<subcore_parallel>], iteration_bounds = array<i64: 2, 16>, scalar_prefetch = 0 : i64, scratch_operands = 5 : i64, tpu.core_type = #tpu.core_type<sc_vector_subcore>, window_params = [{transform_indices = #map}, {transform_indices = #map}, {transform_indices = #map1}, {transform_indices = #map1}, {transform_indices = #map2}]} {
    %mul3A = arith.constant 16 : i32
    %mul3A_0 = arith.muli %arg0, %mul3A : i32
    %add3A = arith.addi %mul3A_0, %arg1 : i32
    %mul3A_1 = arith.constant 640 : i32
    %mul3A_2 = arith.muli %arg1, %mul3A_1 : i32
    "tpu.region"() ({
      %run_scoped3A = tpu.sem_alloc : memref<!tpu.dma_semaphore, #tpu.memory_space<semaphore_mem>>
      %dma_start3A = arith.constant 0 : i32
      %dma_start3A_10 = tpu.memref_slice %arg10[%mul3A_2, %dma_start3A] : memref<10240x128xf32, #tpu.memory_space<vmem_shared>> -> memref<640x128xf32, #tpu.memory_space<vmem_shared>>
      %dma_start3A_11 = arith.constant 0 : i32
      %dma_start3A_12 = tpu.memref_slice %arg5[%mul3A_2, %dma_start3A_11] : memref<10240x128xf32, #tpu.memory_space<hbm>> -> memref<640x128xf32, #tpu.memory_space<hbm>>
      tpu.enqueue_dma source(%dma_start3A_12 : memref<640x128xf32, #tpu.memory_space<hbm>>) target(%dma_start3A_10 : memref<640x128xf32, #tpu.memory_space<vmem_shared>>) target_semaphore(%run_scoped3A : memref<!tpu.dma_semaphore, #tpu.memory_space<semaphore_mem>>)
      %dma_wait3A = arith.constant 0 : i32
      %dma_wait3A_13 = tpu.memref_slice %arg10[%mul3A_2, %dma_wait3A] : memref<10240x128xf32, #tpu.memory_space<vmem_shared>> -> memref<640x128xf32, #tpu.memory_space<vmem_shared>>
      %dma_wait3A_14 = arith.constant 0 : i32
      %dma_wait3A_15 = tpu.memref_slice %arg5[%mul3A_2, %dma_wait3A_14] : memref<10240x128xf32, #tpu.memory_space<hbm>> -> memref<640x128xf32, #tpu.memory_space<hbm>>
      tpu.wait_dma2 semaphore(%run_scoped3A : memref<!tpu.dma_semaphore, #tpu.memory_space<semaphore_mem>>) src(%dma_wait3A_15 : memref<640x128xf32, #tpu.memory_space<hbm>>) dst(%dma_wait3A_13 : memref<640x128xf32, #tpu.memory_space<vmem_shared>>)
      tpu.yield
    }) : () -> ()
    %barrier3A = arith.constant 0 : index
    tpu.barrier barrier_id(%barrier3A)
    %mul3A_3 = arith.constant 10112 : i32
    %mul3A_4 = arith.muli %add3A, %mul3A_3 : i32
    %scan3A = arith.constant 0 : i32
    %scan3A_5 = arith.constant 79 : i32
    %scan3A_6 = arith.addi %scan3A, %scan3A_5 : i32
    %scan3A_7 = arith.constant 1 : i32
    scf.for %scan3A_10 = %scan3A to %scan3A_6 step %scan3A_7  : i32 {
      %mul3A_11 = arith.constant 1 : i32
      %mul3A_12 = arith.muli %scan3A_10, %mul3A_11 : i32
      %add3A_13 = arith.constant 0 : i32
      %add3A_14 = arith.addi %add3A_13, %mul3A_12 : i32
      %mul3A_15 = arith.constant 128 : i32
      %mul3A_16 = arith.muli %add3A_14, %mul3A_15 : i32
      %add3A_17 = arith.addi %mul3A_4, %mul3A_16 : i32
      "tpu.region"() ({
        %run_scoped3A = tpu.sem_alloc : memref<!tpu.dma_semaphore, #tpu.memory_space<semaphore_mem>>
        %dma_start3A_22 = tpu.memref_slice %arg2[%add3A_17] : memref<323584xi32, #tpu.memory_space<hbm>> -> memref<128xi32, #tpu.memory_space<hbm>>
        %dma_start3A_23 = tpu.memref_slice %arg2[%add3A_17] : memref<323584xi32, #tpu.memory_space<hbm>> -> memref<128xi32, #tpu.memory_space<hbm>>
        tpu.enqueue_dma source(%dma_start3A_23 : memref<128xi32, #tpu.memory_space<hbm>>) target(%arg7 : memref<128xi32, #tpu.memory_space<vmem>>) target_semaphore(%run_scoped3A : memref<!tpu.dma_semaphore, #tpu.memory_space<semaphore_mem>>)
        %dma_wait3A_24 = tpu.memref_slice %arg2[%add3A_17] : memref<323584xi32, #tpu.memory_space<hbm>> -> memref<128xi32, #tpu.memory_space<hbm>>
        %dma_wait3A_25 = tpu.memref_slice %arg2[%add3A_17] : memref<323584xi32, #tpu.memory_space<hbm>> -> memref<128xi32, #tpu.memory_space<hbm>>
        tpu.wait_dma2 semaphore(%run_scoped3A : memref<!tpu.dma_semaphore, #tpu.memory_space<semaphore_mem>>) src(%dma_wait3A_25 : memref<128xi32, #tpu.memory_space<hbm>>) dst(%arg7 : memref<128xi32, #tpu.memory_space<vmem>>)
        tpu.yield
      }) : () -> ()
      %dma_start3A = arith.constant 0 : i32
      %dma_start3A_18 = arith.constant 0 : i32
      %dma_start3A_19 = tpu.memref_slice %arg4[%dma_start3A, %dma_start3A_18] : memref<10000x128xf32, #tpu.memory_space<hbm>> -> memref<10000x128xf32, #tpu.memory_space<hbm>>
      tpu.enqueue_indirect_dma source(%dma_start3A_19 : memref<10000x128xf32, #tpu.memory_space<hbm>>) target(%arg9 : memref<128x128xf32, #tpu.memory_space<vmem>>) offsets(%arg7 : memref<128xi32, #tpu.memory_space<vmem>>) semaphore(%arg11 : memref<!tpu.dma_semaphore, #tpu.memory_space<semaphore_mem>>)
      "tpu.region"() ({
        %run_scoped3A = tpu.sem_alloc : memref<!tpu.dma_semaphore, #tpu.memory_space<semaphore_mem>>
        %dma_start3A_22 = tpu.memref_slice %arg3[%add3A_17] : memref<323584xi32, #tpu.memory_space<hbm>> -> memref<128xi32, #tpu.memory_space<hbm>>
        %dma_start3A_23 = tpu.memref_slice %arg3[%add3A_17] : memref<323584xi32, #tpu.memory_space<hbm>> -> memref<128xi32, #tpu.memory_space<hbm>>
        tpu.enqueue_dma source(%dma_start3A_23 : memref<128xi32, #tpu.memory_space<hbm>>) target(%arg8 : memref<128xi32, #tpu.memory_space<vmem>>) target_semaphore(%run_scoped3A : memref<!tpu.dma_semaphore, #tpu.memory_space<semaphore_mem>>)
        %dma_wait3A_24 = tpu.memref_slice %arg3[%add3A_17] : memref<323584xi32, #tpu.memory_space<hbm>> -> memref<128xi32, #tpu.memory_space<hbm>>
        %dma_wait3A_25 = tpu.memref_slice %arg3[%add3A_17] : memref<323584xi32, #tpu.memory_space<hbm>> -> memref<128xi32, #tpu.memory_space<hbm>>
        tpu.wait_dma2 semaphore(%run_scoped3A : memref<!tpu.dma_semaphore, #tpu.memory_space<semaphore_mem>>) src(%dma_wait3A_25 : memref<128xi32, #tpu.memory_space<hbm>>) dst(%arg8 : memref<128xi32, #tpu.memory_space<vmem>>)
        tpu.yield
      }) : () -> ()
      %dma_wait3A = arith.constant 0 : i32
      %dma_wait3A_20 = arith.constant 0 : i32
      %dma_wait3A_21 = tpu.memref_slice %arg4[%dma_wait3A, %dma_wait3A_20] : memref<10000x128xf32, #tpu.memory_space<hbm>> -> memref<10000x128xf32, #tpu.memory_space<hbm>>
      tpu.wait_indirect_dma semaphore(%arg11 : memref<!tpu.dma_semaphore, #tpu.memory_space<semaphore_mem>>) src(%dma_wait3A_21 : memref<10000x128xf32, #tpu.memory_space<hbm>>) dst(%arg9 : memref<128x128xf32, #tpu.memory_space<vmem>>)
      "tpu.region"() ({
        %run_scoped3A = tpu.sem_alloc : memref<!tpu.dma_semaphore, #tpu.memory_space<semaphore_mem>>
        %dma_start3A_22 = arith.constant 0 : i32
        %dma_start3A_23 = arith.constant 0 : i32
        %dma_start3A_24 = tpu.memref_slice %arg10[%dma_start3A_22, %dma_start3A_23] : memref<10240x128xf32, #tpu.memory_space<vmem_shared>> -> memref<10240x128xf32, #tpu.memory_space<vmem_shared>>
        tpu.enqueue_indirect_dma source(%arg9 : memref<128x128xf32, #tpu.memory_space<vmem>>) target(%dma_start3A_24 : memref<10240x128xf32, #tpu.memory_space<vmem_shared>>) offsets(%arg8 : memref<128xi32, #tpu.memory_space<vmem>>) semaphore(%run_scoped3A : memref<!tpu.dma_semaphore, #tpu.memory_space<semaphore_mem>>) {add = true}
        %dma_wait3A_25 = arith.constant 0 : i32
        %dma_wait3A_26 = arith.constant 0 : i32
        %dma_wait3A_27 = tpu.memref_slice %arg10[%dma_wait3A_25, %dma_wait3A_26] : memref<10240x128xf32, #tpu.memory_space<vmem_shared>> -> memref<10240x128xf32, #tpu.memory_space<vmem_shared>>
        tpu.wait_indirect_dma semaphore(%run_scoped3A : memref<!tpu.dma_semaphore, #tpu.memory_space<semaphore_mem>>) src(%arg9 : memref<128x128xf32, #tpu.memory_space<vmem>>) dst(%dma_wait3A_27 : memref<10240x128xf32, #tpu.memory_space<vmem_shared>>)
        tpu.yield
      }) : () -> ()
    }
    %scan3A_8 = arith.constant 79 : i32
    %barrier3A_9 = arith.constant 0 : index
    tpu.barrier barrier_id(%barrier3A_9)
    "tpu.region"() ({
      %run_scoped3A = tpu.sem_alloc : memref<!tpu.dma_semaphore, #tpu.memory_space<semaphore_mem>>
      %dma_start3A = arith.constant 0 : i32
      %dma_start3A_10 = tpu.memref_slice %arg6[%arg0, %mul3A_2, %dma_start3A] : memref<2x10240x128xf32, #tpu.memory_space<hbm>> -> memref<1x640x128xf32, #tpu.memory_space<hbm>>
      %dma_start3A_11 = tpu.memref_squeeze %dma_start3A_10 : memref<1x640x128xf32, #tpu.memory_space<hbm>> -> memref<640x128xf32, #tpu.memory_space<hbm>>
      %dma_start3A_12 = arith.constant 0 : i32
      %dma_start3A_13 = tpu.memref_slice %arg10[%mul3A_2, %dma_start3A_12] : memref<10240x128xf32, #tpu.memory_space<vmem_shared>> -> memref<640x128xf32, #tpu.memory_space<vmem_shared>>
      tpu.enqueue_dma source(%dma_start3A_13 : memref<640x128xf32, #tpu.memory_space<vmem_shared>>) target(%dma_start3A_11 : memref<640x128xf32, #tpu.memory_space<hbm>>) target_semaphore(%run_scoped3A : memref<!tpu.dma_semaphore, #tpu.memory_space<semaphore_mem>>)
      %dma_wait3A = arith.constant 0 : i32
      %dma_wait3A_14 = tpu.memref_slice %arg6[%arg0, %mul3A_2, %dma_wait3A] : memref<2x10240x128xf32, #tpu.memory_space<hbm>> -> memref<1x640x128xf32, #tpu.memory_space<hbm>>
      %dma_wait3A_15 = tpu.memref_squeeze %dma_wait3A_14 : memref<1x640x128xf32, #tpu.memory_space<hbm>> -> memref<640x128xf32, #tpu.memory_space<hbm>>
      %dma_wait3A_16 = arith.constant 0 : i32
      %dma_wait3A_17 = tpu.memref_slice %arg10[%mul3A_2, %dma_wait3A_16] : memref<10240x128xf32, #tpu.memory_space<vmem_shared>> -> memref<640x128xf32, #tpu.memory_space<vmem_shared>>
      tpu.wait_dma2 semaphore(%run_scoped3A : memref<!tpu.dma_semaphore, #tpu.memory_space<semaphore_mem>>) src(%dma_wait3A_17 : memref<640x128xf32, #tpu.memory_space<vmem_shared>>) dst(%dma_wait3A_15 : memref<640x128xf32, #tpu.memory_space<hbm>>)
      tpu.yield
    }) : () -> ()
    return
  }
}

#map = affine_map<(d0, d1) -> (0)>
#map1 = affine_map<(d0, d1) -> (0, 0)>
module attributes {stable_mosaic.version = 14 : i64} {
  func.func @_sc_degree(%arg0: i32, %arg1: i32, %arg2: memref<323584xi32, #tpu.memory_space<hbm>>, %arg3: memref<10240xf32, #tpu.memory_space<hbm>>, %arg4: memref<2x10240xf32, #tpu.memory_space<hbm>>, %arg5: memref<128xi32, #tpu.memory_space<vmem>>, %arg6: memref<128xf32, #tpu.memory_space<vmem>>, %arg7: memref<10240xf32, #tpu.memory_space<vmem_shared>>) attributes {dimension_semantics = [#tpu.dimension_semantics<core_parallel>, #tpu.dimension_semantics<subcore_parallel>], iteration_bounds = array<i64: 2, 16>, scalar_prefetch = 0 : i64, scratch_operands = 3 : i64, tpu.core_type = #tpu.core_type<sc_vector_subcore>, window_params = [{transform_indices = #map}, {transform_indices = #map}, {transform_indices = #map1}]} {
    %mul3A = arith.constant 16 : i32
    %mul3A_0 = arith.muli %arg0, %mul3A : i32
    %add3A = arith.addi %mul3A_0, %arg1 : i32
    %broadcast_in_dim3A = arith.constant 1.000000e+00 : f32
    %broadcast_in_dim3A_1 = vector.broadcast %broadcast_in_dim3A : f32 to vector<16xf32>
    %swap3A = arith.constant 0 : index
    %swap3A_2 = tpu.vector_load %arg6[%swap3A] {strides = array<i32>} : memref<128xf32, #tpu.memory_space<vmem>>, vector<16xf32>,
    %swap3A_3 = vector.shape_cast %swap3A_2 : vector<16xf32> to vector<16xf32>
    %swap3A_4 = vector.shape_cast %broadcast_in_dim3A_1 : vector<16xf32> to vector<16xf32>
    tpu.vector_store %arg6[%swap3A], %swap3A_4 {strides = array<i32>} : memref<128xf32, #tpu.memory_space<vmem>>, vector<16xf32>,
    %broadcast_in_dim3A_5 = arith.constant 1.000000e+00 : f32
    %broadcast_in_dim3A_6 = vector.broadcast %broadcast_in_dim3A_5 : f32 to vector<16xf32>
    %swap3A_7 = arith.constant 16 : index
    %swap3A_8 = tpu.vector_load %arg6[%swap3A_7] {strides = array<i32>} : memref<128xf32, #tpu.memory_space<vmem>>, vector<16xf32>,
    %swap3A_9 = vector.shape_cast %swap3A_8 : vector<16xf32> to vector<16xf32>
    %swap3A_10 = vector.shape_cast %broadcast_in_dim3A_6 : vector<16xf32> to vector<16xf32>
    tpu.vector_store %arg6[%swap3A_7], %swap3A_10 {strides = array<i32>} : memref<128xf32, #tpu.memory_space<vmem>>, vector<16xf32>,
    %broadcast_in_dim3A_11 = arith.constant 1.000000e+00 : f32
    %broadcast_in_dim3A_12 = vector.broadcast %broadcast_in_dim3A_11 : f32 to vector<16xf32>
    %swap3A_13 = arith.constant 32 : index
    %swap3A_14 = tpu.vector_load %arg6[%swap3A_13] {strides = array<i32>} : memref<128xf32, #tpu.memory_space<vmem>>, vector<16xf32>,
    %swap3A_15 = vector.shape_cast %swap3A_14 : vector<16xf32> to vector<16xf32>
    %swap3A_16 = vector.shape_cast %broadcast_in_dim3A_12 : vector<16xf32> to vector<16xf32>
    tpu.vector_store %arg6[%swap3A_13], %swap3A_16 {strides = array<i32>} : memref<128xf32, #tpu.memory_space<vmem>>, vector<16xf32>,
    %broadcast_in_dim3A_17 = arith.constant 1.000000e+00 : f32
    %broadcast_in_dim3A_18 = vector.broadcast %broadcast_in_dim3A_17 : f32 to vector<16xf32>
    %swap3A_19 = arith.constant 48 : index
    %swap3A_20 = tpu.vector_load %arg6[%swap3A_19] {strides = array<i32>} : memref<128xf32, #tpu.memory_space<vmem>>, vector<16xf32>,
    %swap3A_21 = vector.shape_cast %swap3A_20 : vector<16xf32> to vector<16xf32>
    %swap3A_22 = vector.shape_cast %broadcast_in_dim3A_18 : vector<16xf32> to vector<16xf32>
    tpu.vector_store %arg6[%swap3A_19], %swap3A_22 {strides = array<i32>} : memref<128xf32, #tpu.memory_space<vmem>>, vector<16xf32>,
    %broadcast_in_dim3A_23 = arith.constant 1.000000e+00 : f32
    %broadcast_in_dim3A_24 = vector.broadcast %broadcast_in_dim3A_23 : f32 to vector<16xf32>
    %swap3A_25 = arith.constant 64 : index
    %swap3A_26 = tpu.vector_load %arg6[%swap3A_25] {strides = array<i32>} : memref<128xf32, #tpu.memory_space<vmem>>, vector<16xf32>,
    %swap3A_27 = vector.shape_cast %swap3A_26 : vector<16xf32> to vector<16xf32>
    %swap3A_28 = vector.shape_cast %broadcast_in_dim3A_24 : vector<16xf32> to vector<16xf32>
    tpu.vector_store %arg6[%swap3A_25], %swap3A_28 {strides = array<i32>} : memref<128xf32, #tpu.memory_space<vmem>>, vector<16xf32>,
    %broadcast_in_dim3A_29 = arith.constant 1.000000e+00 : f32
    %broadcast_in_dim3A_30 = vector.broadcast %broadcast_in_dim3A_29 : f32 to vector<16xf32>
    %swap3A_31 = arith.constant 80 : index
    %swap3A_32 = tpu.vector_load %arg6[%swap3A_31] {strides = array<i32>} : memref<128xf32, #tpu.memory_space<vmem>>, vector<16xf32>,
    %swap3A_33 = vector.shape_cast %swap3A_32 : vector<16xf32> to vector<16xf32>
    %swap3A_34 = vector.shape_cast %broadcast_in_dim3A_30 : vector<16xf32> to vector<16xf32>
    tpu.vector_store %arg6[%swap3A_31], %swap3A_34 {strides = array<i32>} : memref<128xf32, #tpu.memory_space<vmem>>, vector<16xf32>,
    %broadcast_in_dim3A_35 = arith.constant 1.000000e+00 : f32
    %broadcast_in_dim3A_36 = vector.broadcast %broadcast_in_dim3A_35 : f32 to vector<16xf32>
    %swap3A_37 = arith.constant 96 : index
    %swap3A_38 = tpu.vector_load %arg6[%swap3A_37] {strides = array<i32>} : memref<128xf32, #tpu.memory_space<vmem>>, vector<16xf32>,
    %swap3A_39 = vector.shape_cast %swap3A_38 : vector<16xf32> to vector<16xf32>
    %swap3A_40 = vector.shape_cast %broadcast_in_dim3A_36 : vector<16xf32> to vector<16xf32>
    tpu.vector_store %arg6[%swap3A_37], %swap3A_40 {strides = array<i32>} : memref<128xf32, #tpu.memory_space<vmem>>, vector<16xf32>,
    %broadcast_in_dim3A_41 = arith.constant 1.000000e+00 : f32
    %broadcast_in_dim3A_42 = vector.broadcast %broadcast_in_dim3A_41 : f32 to vector<16xf32>
    %swap3A_43 = arith.constant 112 : index
    %swap3A_44 = tpu.vector_load %arg6[%swap3A_43] {strides = array<i32>} : memref<128xf32, #tpu.memory_space<vmem>>, vector<16xf32>,
    %swap3A_45 = vector.shape_cast %swap3A_44 : vector<16xf32> to vector<16xf32>
    %swap3A_46 = vector.shape_cast %broadcast_in_dim3A_42 : vector<16xf32> to vector<16xf32>
    tpu.vector_store %arg6[%swap3A_43], %swap3A_46 {strides = array<i32>} : memref<128xf32, #tpu.memory_space<vmem>>, vector<16xf32>,
    %mul3A_47 = arith.constant 640 : i32
    %mul3A_48 = arith.muli %arg1, %mul3A_47 : i32
    "tpu.region"() ({
      %run_scoped3A = tpu.sem_alloc : memref<!tpu.dma_semaphore, #tpu.memory_space<semaphore_mem>>
      %dma_start3A = tpu.memref_slice %arg7[%mul3A_48] : memref<10240xf32, #tpu.memory_space<vmem_shared>> -> memref<640xf32, #tpu.memory_space<vmem_shared>>
      %dma_start3A_56 = tpu.memref_slice %arg3[%mul3A_48] : memref<10240xf32, #tpu.memory_space<hbm>> -> memref<640xf32, #tpu.memory_space<hbm>>
      tpu.enqueue_dma source(%dma_start3A_56 : memref<640xf32, #tpu.memory_space<hbm>>) target(%dma_start3A : memref<640xf32, #tpu.memory_space<vmem_shared>>) target_semaphore(%run_scoped3A : memref<!tpu.dma_semaphore, #tpu.memory_space<semaphore_mem>>)
      %dma_wait3A = tpu.memref_slice %arg7[%mul3A_48] : memref<10240xf32, #tpu.memory_space<vmem_shared>> -> memref<640xf32, #tpu.memory_space<vmem_shared>>
      %dma_wait3A_57 = tpu.memref_slice %arg3[%mul3A_48] : memref<10240xf32, #tpu.memory_space<hbm>> -> memref<640xf32, #tpu.memory_space<hbm>>
      tpu.wait_dma2 semaphore(%run_scoped3A : memref<!tpu.dma_semaphore, #tpu.memory_space<semaphore_mem>>) src(%dma_wait3A_57 : memref<640xf32, #tpu.memory_space<hbm>>) dst(%dma_wait3A : memref<640xf32, #tpu.memory_space<vmem_shared>>)
      tpu.yield
    }) : () -> ()
    %barrier3A = arith.constant 0 : index
    tpu.barrier barrier_id(%barrier3A)
    %mul3A_49 = arith.constant 10112 : i32
    %mul3A_50 = arith.muli %add3A, %mul3A_49 : i32
    %scan3A = arith.constant 0 : i32
    %scan3A_51 = arith.constant 79 : i32
    %scan3A_52 = arith.addi %scan3A, %scan3A_51 : i32
    %scan3A_53 = arith.constant 1 : i32
    scf.for %scan3A_56 = %scan3A to %scan3A_52 step %scan3A_53  : i32 {
      %mul3A_57 = arith.constant 1 : i32
      %mul3A_58 = arith.muli %scan3A_56, %mul3A_57 : i32
      %add3A_59 = arith.constant 0 : i32
      %add3A_60 = arith.addi %add3A_59, %mul3A_58 : i32
      %mul3A_61 = arith.constant 128 : i32
      %mul3A_62 = arith.muli %add3A_60, %mul3A_61 : i32
      %add3A_63 = arith.addi %mul3A_50, %mul3A_62 : i32
      "tpu.region"() ({
        %run_scoped3A = tpu.sem_alloc : memref<!tpu.dma_semaphore, #tpu.memory_space<semaphore_mem>>
        %dma_start3A = tpu.memref_slice %arg2[%add3A_63] : memref<323584xi32, #tpu.memory_space<hbm>> -> memref<128xi32, #tpu.memory_space<hbm>>
        %dma_start3A_64 = tpu.memref_slice %arg2[%add3A_63] : memref<323584xi32, #tpu.memory_space<hbm>> -> memref<128xi32, #tpu.memory_space<hbm>>
        tpu.enqueue_dma source(%dma_start3A_64 : memref<128xi32, #tpu.memory_space<hbm>>) target(%arg5 : memref<128xi32, #tpu.memory_space<vmem>>) target_semaphore(%run_scoped3A : memref<!tpu.dma_semaphore, #tpu.memory_space<semaphore_mem>>)
        %dma_wait3A = tpu.memref_slice %arg2[%add3A_63] : memref<323584xi32, #tpu.memory_space<hbm>> -> memref<128xi32, #tpu.memory_space<hbm>>
        %dma_wait3A_65 = tpu.memref_slice %arg2[%add3A_63] : memref<323584xi32, #tpu.memory_space<hbm>> -> memref<128xi32, #tpu.memory_space<hbm>>
        tpu.wait_dma2 semaphore(%run_scoped3A : memref<!tpu.dma_semaphore, #tpu.memory_space<semaphore_mem>>) src(%dma_wait3A_65 : memref<128xi32, #tpu.memory_space<hbm>>) dst(%arg5 : memref<128xi32, #tpu.memory_space<vmem>>)
        tpu.yield
      }) : () -> ()
      "tpu.region"() ({
        %run_scoped3A = tpu.sem_alloc : memref<!tpu.dma_semaphore, #tpu.memory_space<semaphore_mem>>
        %dma_start3A = arith.constant 0 : i32
        %dma_start3A_64 = tpu.memref_slice %arg7[%dma_start3A] : memref<10240xf32, #tpu.memory_space<vmem_shared>> -> memref<10240xf32, #tpu.memory_space<vmem_shared>>
        tpu.enqueue_indirect_dma source(%arg6 : memref<128xf32, #tpu.memory_space<vmem>>) target(%dma_start3A_64 : memref<10240xf32, #tpu.memory_space<vmem_shared>>) offsets(%arg5 : memref<128xi32, #tpu.memory_space<vmem>>) semaphore(%run_scoped3A : memref<!tpu.dma_semaphore, #tpu.memory_space<semaphore_mem>>) {add = true}
        %dma_wait3A = arith.constant 0 : i32
        %dma_wait3A_65 = tpu.memref_slice %arg7[%dma_wait3A] : memref<10240xf32, #tpu.memory_space<vmem_shared>> -> memref<10240xf32, #tpu.memory_space<vmem_shared>>
        tpu.wait_indirect_dma semaphore(%run_scoped3A : memref<!tpu.dma_semaphore, #tpu.memory_space<semaphore_mem>>) src(%arg6 : memref<128xf32, #tpu.memory_space<vmem>>) dst(%dma_wait3A_65 : memref<10240xf32, #tpu.memory_space<vmem_shared>>)
        tpu.yield
      }) : () -> ()
    }
    %scan3A_54 = arith.constant 79 : i32
    %barrier3A_55 = arith.constant 0 : index
    tpu.barrier barrier_id(%barrier3A_55)
    "tpu.region"() ({
      %run_scoped3A = tpu.sem_alloc : memref<!tpu.dma_semaphore, #tpu.memory_space<semaphore_mem>>
      %dma_start3A = tpu.memref_slice %arg4[%arg0, %mul3A_48] : memref<2x10240xf32, #tpu.memory_space<hbm>> -> memref<1x640xf32, #tpu.memory_space<hbm>>
      %dma_start3A_56 = tpu.memref_squeeze %dma_start3A : memref<1x640xf32, #tpu.memory_space<hbm>> -> memref<640xf32, #tpu.memory_space<hbm>>
      %dma_start3A_57 = tpu.memref_slice %arg7[%mul3A_48] : memref<10240xf32, #tpu.memory_space<vmem_shared>> -> memref<640xf32, #tpu.memory_space<vmem_shared>>
      tpu.enqueue_dma source(%dma_start3A_57 : memref<640xf32, #tpu.memory_space<vmem_shared>>) target(%dma_start3A_56 : memref<640xf32, #tpu.memory_space<hbm>>) target_semaphore(%run_scoped3A : memref<!tpu.dma_semaphore, #tpu.memory_space<semaphore_mem>>)
      %dma_wait3A = tpu.memref_slice %arg4[%arg0, %mul3A_48] : memref<2x10240xf32, #tpu.memory_space<hbm>> -> memref<1x640xf32, #tpu.memory_space<hbm>>
      %dma_wait3A_58 = tpu.memref_squeeze %dma_wait3A : memref<1x640xf32, #tpu.memory_space<hbm>> -> memref<640xf32, #tpu.memory_space<hbm>>
      %dma_wait3A_59 = tpu.memref_slice %arg7[%mul3A_48] : memref<10240xf32, #tpu.memory_space<vmem_shared>> -> memref<640xf32, #tpu.memory_space<vmem_shared>>
      tpu.wait_dma2 semaphore(%run_scoped3A : memref<!tpu.dma_semaphore, #tpu.memory_space<semaphore_mem>>) src(%dma_wait3A_59 : memref<640xf32, #tpu.memory_space<vmem_shared>>) dst(%dma_wait3A_58 : memref<640xf32, #tpu.memory_space<hbm>>)
      tpu.yield
    }) : () -> ()
    return
  }
}

#map = affine_map<(d0, d1) -> (0)>
#map1 = affine_map<(d0, d1) -> (0, 0)>
#map2 = affine_map<(d0, d1) -> (0, 0, 0)>
module attributes {stable_mosaic.version = 14 : i64} {
  func.func @_sc_aggregate(%arg0: i32, %arg1: i32, %arg2: memref<323584xi32, #tpu.memory_space<hbm>>, %arg3: memref<323584xi32, #tpu.memory_space<hbm>>, %arg4: memref<10000x128xf32, #tpu.memory_space<hbm>>, %arg5: memref<10240x128xf32, #tpu.memory_space<hbm>>, %arg6: memref<2x10240x128xf32, #tpu.memory_space<hbm>>, %arg7: memref<128xi32, #tpu.memory_space<vmem>>, %arg8: memref<128xi32, #tpu.memory_space<vmem>>, %arg9: memref<128x128xf32, #tpu.memory_space<vmem>>, %arg10: memref<10240x128xf32, #tpu.memory_space<vmem_shared>>, %arg11: memref<!tpu.dma_semaphore, #tpu.memory_space<semaphore_mem>>) attributes {dimension_semantics = [#tpu.dimension_semantics<core_parallel>, #tpu.dimension_semantics<subcore_parallel>], iteration_bounds = array<i64: 2, 16>, scalar_prefetch = 0 : i64, scratch_operands = 5 : i64, tpu.core_type = #tpu.core_type<sc_vector_subcore>, window_params = [{transform_indices = #map}, {transform_indices = #map}, {transform_indices = #map1}, {transform_indices = #map1}, {transform_indices = #map2}]} {
    %mul3A = arith.constant 16 : i32
    %mul3A_0 = arith.muli %arg0, %mul3A : i32
    %add3A = arith.addi %mul3A_0, %arg1 : i32
    %mul3A_1 = arith.constant 640 : i32
    %mul3A_2 = arith.muli %arg1, %mul3A_1 : i32
    "tpu.region"() ({
      %run_scoped3A = tpu.sem_alloc : memref<!tpu.dma_semaphore, #tpu.memory_space<semaphore_mem>>
      %dma_start3A = arith.constant 0 : i32
      %dma_start3A_10 = tpu.memref_slice %arg10[%mul3A_2, %dma_start3A] : memref<10240x128xf32, #tpu.memory_space<vmem_shared>> -> memref<640x128xf32, #tpu.memory_space<vmem_shared>>
      %dma_start3A_11 = arith.constant 0 : i32
      %dma_start3A_12 = tpu.memref_slice %arg5[%mul3A_2, %dma_start3A_11] : memref<10240x128xf32, #tpu.memory_space<hbm>> -> memref<640x128xf32, #tpu.memory_space<hbm>>
      tpu.enqueue_dma source(%dma_start3A_12 : memref<640x128xf32, #tpu.memory_space<hbm>>) target(%dma_start3A_10 : memref<640x128xf32, #tpu.memory_space<vmem_shared>>) target_semaphore(%run_scoped3A : memref<!tpu.dma_semaphore, #tpu.memory_space<semaphore_mem>>)
      %dma_wait3A = arith.constant 0 : i32
      %dma_wait3A_13 = tpu.memref_slice %arg10[%mul3A_2, %dma_wait3A] : memref<10240x128xf32, #tpu.memory_space<vmem_shared>> -> memref<640x128xf32, #tpu.memory_space<vmem_shared>>
      %dma_wait3A_14 = arith.constant 0 : i32
      %dma_wait3A_15 = tpu.memref_slice %arg5[%mul3A_2, %dma_wait3A_14] : memref<10240x128xf32, #tpu.memory_space<hbm>> -> memref<640x128xf32, #tpu.memory_space<hbm>>
      tpu.wait_dma2 semaphore(%run_scoped3A : memref<!tpu.dma_semaphore, #tpu.memory_space<semaphore_mem>>) src(%dma_wait3A_15 : memref<640x128xf32, #tpu.memory_space<hbm>>) dst(%dma_wait3A_13 : memref<640x128xf32, #tpu.memory_space<vmem_shared>>)
      tpu.yield
    }) : () -> ()
    %barrier3A = arith.constant 0 : index
    tpu.barrier barrier_id(%barrier3A)
    %mul3A_3 = arith.constant 10112 : i32
    %mul3A_4 = arith.muli %add3A, %mul3A_3 : i32
    %scan3A = arith.constant 0 : i32
    %scan3A_5 = arith.constant 79 : i32
    %scan3A_6 = arith.addi %scan3A, %scan3A_5 : i32
    %scan3A_7 = arith.constant 1 : i32
    scf.for %scan3A_10 = %scan3A to %scan3A_6 step %scan3A_7  : i32 {
      %mul3A_11 = arith.constant 1 : i32
      %mul3A_12 = arith.muli %scan3A_10, %mul3A_11 : i32
      %add3A_13 = arith.constant 0 : i32
      %add3A_14 = arith.addi %add3A_13, %mul3A_12 : i32
      %mul3A_15 = arith.constant 128 : i32
      %mul3A_16 = arith.muli %add3A_14, %mul3A_15 : i32
      %add3A_17 = arith.addi %mul3A_4, %mul3A_16 : i32
      "tpu.region"() ({
        %run_scoped3A = tpu.sem_alloc : memref<!tpu.dma_semaphore, #tpu.memory_space<semaphore_mem>>
        %dma_start3A_22 = tpu.memref_slice %arg2[%add3A_17] : memref<323584xi32, #tpu.memory_space<hbm>> -> memref<128xi32, #tpu.memory_space<hbm>>
        %dma_start3A_23 = tpu.memref_slice %arg2[%add3A_17] : memref<323584xi32, #tpu.memory_space<hbm>> -> memref<128xi32, #tpu.memory_space<hbm>>
        tpu.enqueue_dma source(%dma_start3A_23 : memref<128xi32, #tpu.memory_space<hbm>>) target(%arg7 : memref<128xi32, #tpu.memory_space<vmem>>) target_semaphore(%run_scoped3A : memref<!tpu.dma_semaphore, #tpu.memory_space<semaphore_mem>>)
        %dma_wait3A_24 = tpu.memref_slice %arg2[%add3A_17] : memref<323584xi32, #tpu.memory_space<hbm>> -> memref<128xi32, #tpu.memory_space<hbm>>
        %dma_wait3A_25 = tpu.memref_slice %arg2[%add3A_17] : memref<323584xi32, #tpu.memory_space<hbm>> -> memref<128xi32, #tpu.memory_space<hbm>>
        tpu.wait_dma2 semaphore(%run_scoped3A : memref<!tpu.dma_semaphore, #tpu.memory_space<semaphore_mem>>) src(%dma_wait3A_25 : memref<128xi32, #tpu.memory_space<hbm>>) dst(%arg7 : memref<128xi32, #tpu.memory_space<vmem>>)
        tpu.yield
      }) : () -> ()
      %dma_start3A = arith.constant 0 : i32
      %dma_start3A_18 = arith.constant 0 : i32
      %dma_start3A_19 = tpu.memref_slice %arg4[%dma_start3A, %dma_start3A_18] : memref<10000x128xf32, #tpu.memory_space<hbm>> -> memref<10000x128xf32, #tpu.memory_space<hbm>>
      tpu.enqueue_indirect_dma source(%dma_start3A_19 : memref<10000x128xf32, #tpu.memory_space<hbm>>) target(%arg9 : memref<128x128xf32, #tpu.memory_space<vmem>>) offsets(%arg7 : memref<128xi32, #tpu.memory_space<vmem>>) semaphore(%arg11 : memref<!tpu.dma_semaphore, #tpu.memory_space<semaphore_mem>>)
      "tpu.region"() ({
        %run_scoped3A = tpu.sem_alloc : memref<!tpu.dma_semaphore, #tpu.memory_space<semaphore_mem>>
        %dma_start3A_22 = tpu.memref_slice %arg3[%add3A_17] : memref<323584xi32, #tpu.memory_space<hbm>> -> memref<128xi32, #tpu.memory_space<hbm>>
        %dma_start3A_23 = tpu.memref_slice %arg3[%add3A_17] : memref<323584xi32, #tpu.memory_space<hbm>> -> memref<128xi32, #tpu.memory_space<hbm>>
        tpu.enqueue_dma source(%dma_start3A_23 : memref<128xi32, #tpu.memory_space<hbm>>) target(%arg8 : memref<128xi32, #tpu.memory_space<vmem>>) target_semaphore(%run_scoped3A : memref<!tpu.dma_semaphore, #tpu.memory_space<semaphore_mem>>)
        %dma_wait3A_24 = tpu.memref_slice %arg3[%add3A_17] : memref<323584xi32, #tpu.memory_space<hbm>> -> memref<128xi32, #tpu.memory_space<hbm>>
        %dma_wait3A_25 = tpu.memref_slice %arg3[%add3A_17] : memref<323584xi32, #tpu.memory_space<hbm>> -> memref<128xi32, #tpu.memory_space<hbm>>
        tpu.wait_dma2 semaphore(%run_scoped3A : memref<!tpu.dma_semaphore, #tpu.memory_space<semaphore_mem>>) src(%dma_wait3A_25 : memref<128xi32, #tpu.memory_space<hbm>>) dst(%arg8 : memref<128xi32, #tpu.memory_space<vmem>>)
        tpu.yield
      }) : () -> ()
      %dma_wait3A = arith.constant 0 : i32
      %dma_wait3A_20 = arith.constant 0 : i32
      %dma_wait3A_21 = tpu.memref_slice %arg4[%dma_wait3A, %dma_wait3A_20] : memref<10000x128xf32, #tpu.memory_space<hbm>> -> memref<10000x128xf32, #tpu.memory_space<hbm>>
      tpu.wait_indirect_dma semaphore(%arg11 : memref<!tpu.dma_semaphore, #tpu.memory_space<semaphore_mem>>) src(%dma_wait3A_21 : memref<10000x128xf32, #tpu.memory_space<hbm>>) dst(%arg9 : memref<128x128xf32, #tpu.memory_space<vmem>>)
      "tpu.region"() ({
        %run_scoped3A = tpu.sem_alloc : memref<!tpu.dma_semaphore, #tpu.memory_space<semaphore_mem>>
        %dma_start3A_22 = arith.constant 0 : i32
        %dma_start3A_23 = arith.constant 0 : i32
        %dma_start3A_24 = tpu.memref_slice %arg10[%dma_start3A_22, %dma_start3A_23] : memref<10240x128xf32, #tpu.memory_space<vmem_shared>> -> memref<10240x128xf32, #tpu.memory_space<vmem_shared>>
        tpu.enqueue_indirect_dma source(%arg9 : memref<128x128xf32, #tpu.memory_space<vmem>>) target(%dma_start3A_24 : memref<10240x128xf32, #tpu.memory_space<vmem_shared>>) offsets(%arg8 : memref<128xi32, #tpu.memory_space<vmem>>) semaphore(%run_scoped3A : memref<!tpu.dma_semaphore, #tpu.memory_space<semaphore_mem>>) {add = true}
        %dma_wait3A_25 = arith.constant 0 : i32
        %dma_wait3A_26 = arith.constant 0 : i32
        %dma_wait3A_27 = tpu.memref_slice %arg10[%dma_wait3A_25, %dma_wait3A_26] : memref<10240x128xf32, #tpu.memory_space<vmem_shared>> -> memref<10240x128xf32, #tpu.memory_space<vmem_shared>>
        tpu.wait_indirect_dma semaphore(%run_scoped3A : memref<!tpu.dma_semaphore, #tpu.memory_space<semaphore_mem>>) src(%arg9 : memref<128x128xf32, #tpu.memory_space<vmem>>) dst(%dma_wait3A_27 : memref<10240x128xf32, #tpu.memory_space<vmem_shared>>)
        tpu.yield
      }) : () -> ()
    }
    %scan3A_8 = arith.constant 79 : i32
    %barrier3A_9 = arith.constant 0 : index
    tpu.barrier barrier_id(%barrier3A_9)
    "tpu.region"() ({
      %run_scoped3A = tpu.sem_alloc : memref<!tpu.dma_semaphore, #tpu.memory_space<semaphore_mem>>
      %dma_start3A = arith.constant 0 : i32
      %dma_start3A_10 = tpu.memref_slice %arg6[%arg0, %mul3A_2, %dma_start3A] : memref<2x10240x128xf32, #tpu.memory_space<hbm>> -> memref<1x640x128xf32, #tpu.memory_space<hbm>>
      %dma_start3A_11 = tpu.memref_squeeze %dma_start3A_10 : memref<1x640x128xf32, #tpu.memory_space<hbm>> -> memref<640x128xf32, #tpu.memory_space<hbm>>
      %dma_start3A_12 = arith.constant 0 : i32
      %dma_start3A_13 = tpu.memref_slice %arg10[%mul3A_2, %dma_start3A_12] : memref<10240x128xf32, #tpu.memory_space<vmem_shared>> -> memref<640x128xf32, #tpu.memory_space<vmem_shared>>
      tpu.enqueue_dma source(%dma_start3A_13 : memref<640x128xf32, #tpu.memory_space<vmem_shared>>) target(%dma_start3A_11 : memref<640x128xf32, #tpu.memory_space<hbm>>) target_semaphore(%run_scoped3A : memref<!tpu.dma_semaphore, #tpu.memory_space<semaphore_mem>>)
      %dma_wait3A = arith.constant 0 : i32
      %dma_wait3A_14 = tpu.memref_slice %arg6[%arg0, %mul3A_2, %dma_wait3A] : memref<2x10240x128xf32, #tpu.memory_space<hbm>> -> memref<1x640x128xf32, #tpu.memory_space<hbm>>
      %dma_wait3A_15 = tpu.memref_squeeze %dma_wait3A_14 : memref<1x640x128xf32, #tpu.memory_space<hbm>> -> memref<640x128xf32, #tpu.memory_space<hbm>>
      %dma_wait3A_16 = arith.constant 0 : i32
      %dma_wait3A_17 = tpu.memref_slice %arg10[%mul3A_2, %dma_wait3A_16] : memref<10240x128xf32, #tpu.memory_space<vmem_shared>> -> memref<640x128xf32, #tpu.memory_space<vmem_shared>>
      tpu.wait_dma2 semaphore(%run_scoped3A : memref<!tpu.dma_semaphore, #tpu.memory_space<semaphore_mem>>) src(%dma_wait3A_17 : memref<640x128xf32, #tpu.memory_space<vmem_shared>>) dst(%dma_wait3A_15 : memref<640x128xf32, #tpu.memory_space<hbm>>)
      tpu.yield
    }) : () -> ()
    return
  }
}

module attributes {stable_mosaic.version = 14 : i64} {
  func.func @body(%arg0: memref<2x10240x1xf32, #tpu.memory_space<vmem>>, %arg1: memref<10000x128xf32, #tpu.memory_space<vmem>>, %arg2: memref<128x128xf32, #tpu.memory_space<vmem>>, %arg3: memref<10000x1xf32, #tpu.memory_space<vmem>>, %arg4: memref<10000x128xf32, #tpu.memory_space<vmem>>) attributes {dimension_semantics = [], scalar_prefetch = 0 : i64, scratch_operands = 0 : i64, tpu.core_type = #tpu.core_type<tc>} {
    %get3A = arith.constant 0 : index
    %get3A_0 = arith.constant 0 : index
    %get3A_1 = arith.constant 0 : index
    %get3A_2 = vector.load %arg0[%get3A, %get3A_0, %get3A_1] : memref<2x10240x1xf32, #tpu.memory_space<vmem>>, vector<1x10000x1xf32>
    %get3A_3 = vector.shape_cast %get3A_2 : vector<1x10000x1xf32> to vector<10000x1xf32>
    %get3A_4 = arith.constant 1 : index
    %get3A_5 = arith.constant 0 : index
    %get3A_6 = arith.constant 0 : index
    %get3A_7 = vector.load %arg0[%get3A_4, %get3A_5, %get3A_6] : memref<2x10240x1xf32, #tpu.memory_space<vmem>>, vector<1x10000x1xf32>
    %get3A_8 = vector.shape_cast %get3A_7 : vector<1x10000x1xf32> to vector<10000x1xf32>
    %add3A = arith.addf %get3A_3, %get3A_8 : vector<10000x1xf32>
    %add3A_9 = arith.constant 1.000000e+00 : f32
    %add3A_10 = vector.broadcast %add3A_9 : f32 to vector<10000x1xf32>
    %add3A_11 = arith.addf %add3A, %add3A_10 : vector<10000x1xf32>
    %rsqrt3A = math.rsqrt %add3A_11 : vector<10000x1xf32>
    %get3A_12 = arith.constant 0 : index
    %get3A_13 = arith.constant 0 : index
    %get3A_14 = vector.load %arg1[%get3A_12, %get3A_13] : memref<10000x128xf32, #tpu.memory_space<vmem>>, vector<10000x128xf32>
    %get3A_15 = arith.constant 0 : index
    %get3A_16 = arith.constant 0 : index
    %get3A_17 = vector.load %arg2[%get3A_15, %get3A_16] : memref<128x128xf32, #tpu.memory_space<vmem>>, vector<128x128xf32>
    %dot_general3A = arith.constant dense<0.000000e+00> : vector<10000x128xf32>
    %dot_general3A_18 = tpu.matmul %get3A_14, %get3A_17, %dot_general3A {dimension_numbers = #tpu.dot_dimension_numbers<[1], [0], [0], [1], [0, 0, 1, 1], [], []>, transpose_lhs_hint = false} : vector<10000x128xf32>, vector<128x128xf32>, vector<10000x128xf32> -> vector<10000x128xf32>
    %swap3A = arith.constant 0 : index
    %swap3A_19 = arith.constant 0 : index
    %swap3A_20 = vector.load %arg3[%swap3A, %swap3A_19] : memref<10000x1xf32, #tpu.memory_space<vmem>>, vector<10000x1xf32>
    tpu.vector_store %arg3[%swap3A, %swap3A_19], %rsqrt3A {strides = array<i32>} : memref<10000x1xf32, #tpu.memory_space<vmem>>, vector<10000x1xf32>,
    %mul3A = vector.broadcast %rsqrt3A : vector<10000x1xf32> to vector<10000x128xf32>
    %mul3A_21 = arith.mulf %dot_general3A_18, %mul3A : vector<10000x128xf32>
    %swap3A_22 = arith.constant 0 : index
    %swap3A_23 = arith.constant 0 : index
    %swap3A_24 = vector.load %arg4[%swap3A_22, %swap3A_23] : memref<10000x128xf32, #tpu.memory_space<vmem>>, vector<10000x128xf32>
    tpu.vector_store %arg4[%swap3A_22, %swap3A_23], %mul3A_21 {strides = array<i32>} : memref<10000x128xf32, #tpu.memory_space<vmem>>, vector<10000x128xf32>,
    return
  }
}

module attributes {stable_mosaic.version = 14 : i64} {
  func.func @body(%arg0: memref<2x10240x128xf32, #tpu.memory_space<vmem>>, %arg1: memref<10000x128xf32, #tpu.memory_space<vmem>>, %arg2: memref<10000x1xf32, #tpu.memory_space<vmem>>, %arg3: memref<1x128xf32, #tpu.memory_space<vmem>>, %arg4: memref<1x128xf32, #tpu.memory_space<vmem>>, %arg5: memref<1x128xf32, #tpu.memory_space<vmem>>, %arg6: memref<10000x128xf32, #tpu.memory_space<vmem>>) attributes {dimension_semantics = [], scalar_prefetch = 0 : i64, scratch_operands = 0 : i64, tpu.core_type = #tpu.core_type<tc>} {
    %get3A = arith.constant 0 : index
    %get3A_0 = arith.constant 0 : index
    %get3A_1 = arith.constant 0 : index
    %get3A_2 = vector.load %arg0[%get3A, %get3A_0, %get3A_1] : memref<2x10240x128xf32, #tpu.memory_space<vmem>>, vector<1x10000x128xf32>
    %get3A_3 = vector.shape_cast %get3A_2 : vector<1x10000x128xf32> to vector<10000x128xf32>
    %get3A_4 = arith.constant 1 : index
    %get3A_5 = arith.constant 0 : index
    %get3A_6 = arith.constant 0 : index
    %get3A_7 = vector.load %arg0[%get3A_4, %get3A_5, %get3A_6] : memref<2x10240x128xf32, #tpu.memory_space<vmem>>, vector<1x10000x128xf32>
    %get3A_8 = vector.shape_cast %get3A_7 : vector<1x10000x128xf32> to vector<10000x128xf32>
    %add3A = arith.addf %get3A_3, %get3A_8 : vector<10000x128xf32>
    %get3A_9 = arith.constant 0 : index
    %get3A_10 = arith.constant 0 : index
    %get3A_11 = vector.load %arg2[%get3A_9, %get3A_10] : memref<10000x1xf32, #tpu.memory_space<vmem>>, vector<10000x1xf32>
    %get3A_12 = arith.constant 0 : index
    %get3A_13 = arith.constant 0 : index
    %get3A_14 = vector.load %arg1[%get3A_12, %get3A_13] : memref<10000x128xf32, #tpu.memory_space<vmem>>, vector<10000x128xf32>
    %add3A_15 = arith.addf %add3A, %get3A_14 : vector<10000x128xf32>
    %mul3A = vector.broadcast %get3A_11 : vector<10000x1xf32> to vector<10000x128xf32>
    %mul3A_16 = arith.mulf %mul3A, %add3A_15 : vector<10000x128xf32>
    %get3A_17 = arith.constant 0 : index
    %get3A_18 = arith.constant 0 : index
    %get3A_19 = vector.load %arg3[%get3A_17, %get3A_18] : memref<1x128xf32, #tpu.memory_space<vmem>>, vector<1x128xf32>
    %add3A_20 = vector.broadcast %get3A_19 : vector<1x128xf32> to vector<10000x128xf32>
    %add3A_21 = arith.addf %mul3A_16, %add3A_20 : vector<10000x128xf32>
    %reduce_sum3A = arith.constant dense<0.000000e+00> : vector<128xf32>
    %reduce_sum3A_22 = vector.multi_reduction <add>, %add3A_21, %reduce_sum3A [0] : vector<10000x128xf32> to vector<128xf32>
    %broadcast_in_dim3A = vector.shape_cast %reduce_sum3A_22 : vector<128xf32> to vector<1x128xf32>
    %div3A = arith.constant 1.000000e+04 : f32
    %div3A_23 = vector.broadcast %div3A : f32 to vector<1x128xf32>
    %div3A_24 = arith.divf %broadcast_in_dim3A, %div3A_23 : vector<1x128xf32>
    %sub3A = vector.broadcast %div3A_24 : vector<1x128xf32> to vector<10000x128xf32>
    %sub3A_25 = arith.subf %add3A_21, %sub3A : vector<10000x128xf32>
    %mul3A_26 = arith.mulf %sub3A_25, %sub3A_25 : vector<10000x128xf32>
    %reduce_sum3A_27 = arith.constant dense<0.000000e+00> : vector<128xf32>
    %reduce_sum3A_28 = vector.multi_reduction <add>, %mul3A_26, %reduce_sum3A_27 [0] : vector<10000x128xf32> to vector<128xf32>
    %broadcast_in_dim3A_29 = vector.shape_cast %reduce_sum3A_28 : vector<128xf32> to vector<1x128xf32>
    %div3A_30 = arith.constant 1.000000e+04 : f32
    %div3A_31 = vector.broadcast %div3A_30 : f32 to vector<1x128xf32>
    %div3A_32 = arith.divf %broadcast_in_dim3A_29, %div3A_31 : vector<1x128xf32>
    %add3A_33 = arith.constant 9.99999974E-6 : f32
    %add3A_34 = vector.broadcast %add3A_33 : f32 to vector<1x128xf32>
    %add3A_35 = arith.addf %div3A_32, %add3A_34 : vector<1x128xf32>
    %rsqrt3A = math.rsqrt %add3A_35 : vector<1x128xf32>
    %mul3A_36 = vector.broadcast %rsqrt3A : vector<1x128xf32> to vector<10000x128xf32>
    %mul3A_37 = arith.mulf %sub3A_25, %mul3A_36 : vector<10000x128xf32>
    %get3A_38 = arith.constant 0 : index
    %get3A_39 = arith.constant 0 : index
    %get3A_40 = vector.load %arg4[%get3A_38, %get3A_39] : memref<1x128xf32, #tpu.memory_space<vmem>>, vector<1x128xf32>
    %mul3A_41 = vector.broadcast %get3A_40 : vector<1x128xf32> to vector<10000x128xf32>
    %mul3A_42 = arith.mulf %mul3A_37, %mul3A_41 : vector<10000x128xf32>
    %get3A_43 = arith.constant 0 : index
    %get3A_44 = arith.constant 0 : index
    %get3A_45 = vector.load %arg5[%get3A_43, %get3A_44] : memref<1x128xf32, #tpu.memory_space<vmem>>, vector<1x128xf32>
    %add3A_46 = vector.broadcast %get3A_45 : vector<1x128xf32> to vector<10000x128xf32>
    %add3A_47 = arith.addf %mul3A_42, %add3A_46 : vector<10000x128xf32>
    %max3A = arith.constant 0.000000e+00 : f32
    %max3A_48 = vector.broadcast %max3A : f32 to vector<10000x128xf32>
    %max3A_49 = arith.maximumf %add3A_47, %max3A_48 : vector<10000x128xf32>
    %mul3A_50 = vector.broadcast %get3A_11 : vector<10000x1xf32> to vector<10000x128xf32>
    %mul3A_51 = arith.mulf %max3A_49, %mul3A_50 : vector<10000x128xf32>
    %swap3A = arith.constant 0 : index
    %swap3A_52 = arith.constant 0 : index
    %swap3A_53 = vector.load %arg6[%swap3A, %swap3A_52] : memref<10000x128xf32, #tpu.memory_space<vmem>>, vector<10000x128xf32>
    tpu.vector_store %arg6[%swap3A, %swap3A_52], %mul3A_51 {strides = array<i32>} : memref<10000x128xf32, #tpu.memory_space<vmem>>, vector<10000x128xf32>,
    return
  }
}

module attributes {stable_mosaic.version = 14 : i64} {
  func.func @body(%arg0: memref<2x10240x128xf32, #tpu.memory_space<vmem>>, %arg1: memref<10000x128xf32, #tpu.memory_space<vmem>>, %arg2: memref<10000x1xf32, #tpu.memory_space<vmem>>, %arg3: memref<128x64xf32, #tpu.memory_space<vmem>>, %arg4: memref<1x64xf32, #tpu.memory_space<vmem>>, %arg5: memref<10000x64xf32, #tpu.memory_space<vmem>>) attributes {dimension_semantics = [], scalar_prefetch = 0 : i64, scratch_operands = 0 : i64, tpu.core_type = #tpu.core_type<tc>} {
    %get3A = arith.constant 0 : index
    %get3A_0 = arith.constant 0 : index
    %get3A_1 = arith.constant 0 : index
    %get3A_2 = vector.load %arg0[%get3A, %get3A_0, %get3A_1] : memref<2x10240x128xf32, #tpu.memory_space<vmem>>, vector<1x10000x128xf32>
    %get3A_3 = vector.shape_cast %get3A_2 : vector<1x10000x128xf32> to vector<10000x128xf32>
    %get3A_4 = arith.constant 1 : index
    %get3A_5 = arith.constant 0 : index
    %get3A_6 = arith.constant 0 : index
    %get3A_7 = vector.load %arg0[%get3A_4, %get3A_5, %get3A_6] : memref<2x10240x128xf32, #tpu.memory_space<vmem>>, vector<1x10000x128xf32>
    %get3A_8 = vector.shape_cast %get3A_7 : vector<1x10000x128xf32> to vector<10000x128xf32>
    %add3A = arith.addf %get3A_3, %get3A_8 : vector<10000x128xf32>
    %get3A_9 = arith.constant 0 : index
    %get3A_10 = arith.constant 0 : index
    %get3A_11 = vector.load %arg2[%get3A_9, %get3A_10] : memref<10000x1xf32, #tpu.memory_space<vmem>>, vector<10000x1xf32>
    %get3A_12 = arith.constant 0 : index
    %get3A_13 = arith.constant 0 : index
    %get3A_14 = vector.load %arg1[%get3A_12, %get3A_13] : memref<10000x128xf32, #tpu.memory_space<vmem>>, vector<10000x128xf32>
    %add3A_15 = arith.addf %add3A, %get3A_14 : vector<10000x128xf32>
    %mul3A = vector.broadcast %get3A_11 : vector<10000x1xf32> to vector<10000x128xf32>
    %mul3A_16 = arith.mulf %mul3A, %add3A_15 : vector<10000x128xf32>
    %get3A_17 = arith.constant 0 : index
    %get3A_18 = arith.constant 0 : index
    %get3A_19 = vector.load %arg3[%get3A_17, %get3A_18] : memref<128x64xf32, #tpu.memory_space<vmem>>, vector<128x64xf32>
    %dot_general3A = arith.constant dense<0.000000e+00> : vector<10000x64xf32>
    %dot_general3A_20 = tpu.matmul %mul3A_16, %get3A_19, %dot_general3A {dimension_numbers = #tpu.dot_dimension_numbers<[1], [0], [0], [1], [0, 0, 1, 1], [], []>, transpose_lhs_hint = false} : vector<10000x128xf32>, vector<128x64xf32>, vector<10000x64xf32> -> vector<10000x64xf32>
    %get3A_21 = arith.constant 0 : index
    %get3A_22 = arith.constant 0 : index
    %get3A_23 = vector.load %arg4[%get3A_21, %get3A_22] : memref<1x64xf32, #tpu.memory_space<vmem>>, vector<1x64xf32>
    %add3A_24 = vector.broadcast %get3A_23 : vector<1x64xf32> to vector<10000x64xf32>
    %add3A_25 = arith.addf %dot_general3A_20, %add3A_24 : vector<10000x64xf32>
    %swap3A = arith.constant 0 : index
    %swap3A_26 = arith.constant 0 : index
    %swap3A_27 = vector.load %arg5[%swap3A, %swap3A_26] : memref<10000x64xf32, #tpu.memory_space<vmem>>, vector<10000x64xf32>
    tpu.vector_store %arg5[%swap3A, %swap3A_26], %add3A_25 {strides = array<i32>} : memref<10000x64xf32, #tpu.memory_space<vmem>>, vector<10000x64xf32>,
    return
  }
}

</mosaic_0001>

<sc_bundles>
// kernel: kernel.11.cloned.1.call-start
scs
__scs_entry_jumppad:
0x0: {  	(pc) =	sbr.rel $0x88, $3  }
0x1: {  	(tag) =	ssettag $0x0;
	lr =	simm.s32 $0x1  }
0x2: {  	[smem:$0x3F99] =	sst lr;
	_ =	strace $0xD0000000  }
0x3: {  	_ = 	snop  }
0x4: {  	_ = 	snop  }
0x5: {  	_ = 	snop  }
0x6: {  	_ = 	snop  }
0x7: {  	_ = 	snop  }
__scs_overlays_trampoline_lowered:
0x8: {  	[smem:$0x3FA8] =	sst s0  }
0x9: {  	[smem:$0x3FA9] =	sst s1  }
0xa: {  	[smem:$0x3FAA] =	sst s2  }
0xb: {  	[smem:$0x3FAB] =	sst s3  }
0xc: {  	[smem:$0x3FAC] =	sst s4  }
0xd: {  	[smem:$0x3FAD] =	sst s5  }
0xe: {  	[smem:$0x3FAE] =	sst s6  }
0xf: {  	[smem:$0x3FAF] =	sst s7  }
0x10: {  	[smem:$0x3FB0] =	sst s8  }
0x11: {  	[smem:$0x3FB1] =	sst s9;
	s0 =	simm.s32 @!p0 $0x0  }
0x12: {  	s1 =	sld [smem:$0x3F97];
	s0 =	simm.s32 @p0 $0x1  }
0x13: {  	[smem:$0x3FB2] =	sst s0;
	s0 =	simm.s32 @!p1 $0x0  }
0x14: {  	s2 =	sld [smem:$0x3F96];
	s0 =	simm.s32 @p1 $0x1  }
0x15: {  	[smem:$0x3FB3] =	sst s0;
	s0 =	simm.s32 @!p2 $0x0  }
0x16: {  	s3 =	sld [smem:$0x3FDB];
	s0 =	simm.s32 @p2 $0x1  }
0x17: {  	s4 =	simm.s32 $0x1BF5;
	[smem:$0x3FB5] =	sst s0  }
0x18: {  	s0 =	sld [smem:$0x3F98];
	_ =	swait.ge [sflag:s4], $0x0  }
0x19: {  	s7 =	sld [smem:$0x3F99]  }
0x1a: {  	s8 =	sadd.s32 $0xFFFFE003, lr  }
0x1b: {  	s9 =	sadd.s32 $0xFFFFFEF7, lr;
	s5 =	simm.s32 $0xFFFFFFFF;
	p2 =	slt.u32 s8, $0xFFFFF086  }
0x1c: {  	p1 =	slt.u32 s9, $0xF7A;
	s5 =	simm.s32 @!p2 $0x0  }
0x1d: {  	s5 =	simm.s32 @p1 $0x1;
	p0 =	seq.s32 s7, s2  }
0x1e: {  	s7 =	smul.u32 @!p0 $0xF7A, s2;
	p2 =	seq.s32 @!p0 s5, $0x0  }
0x1f: {  	s9 =	smul.u32 $0xF7A, s1;
	s8 =	simm.s32 @!p0 $0x1BF5;
	p2 =	por !p2, p0  }
0x20: {  	[sflag:s8] =	ssyncset.s32 @!p0 $0xFFFFF086;
	s6 =	sadd.s32 @!p0 s3, s7;
	s7 =	simm.s32 @!p0 $0x108  }
0x21: {  	s3 =	sadd.s32 s3, s9;
	s6 =	sadd.s32 @!p0 $0x88, s6;
	s7 =	simm.s32 @p2 $0x1082  }
0x22: {  	[simem:s7], [sflag:s8] =	dma.local @!p0 [hbm:s6], $0xF7A  }
0x23: {  	s9 =	sor.u32 $0xD0000000, s2;
	s6 =	simm.s32 $0x108;
	_ =	swait.ge @!p0 [sflag:s8], $0x0  }
0x24: {  	s3 =	sadd.s32 $0x88, s3;
	s6 =	simm.s32 @!p1 $0x1082;
	[sflag:s4] =	ssyncset.s32 $0xFFFFF086  }
0x25: {  	[simem:s6], [sflag:s4] =	dma.local [hbm:s3], $0xF7A  }
0x26: {  	[smem:$0x3F99] =	sst s1;
	(tag) =	ssettag s2;
	_ =	strace s9  }
0x27: {  	s1 =	sld [smem:$0x3FA9]  }
0x28: {  	s2 =	sld [smem:$0x3FAA]  }
0x29: {  	s4 =	sld [smem:$0x3FAC]  }
0x2a: {  	p0 =	seq.s32 s5, $0x0;
	s5 =	sld [smem:$0x3FAD]  }
0x2b: {  	s6 =	sld [smem:$0x3FAE]  }
0x2c: {  	s7 =	sld [smem:$0x3FAF]  }
0x2d: {  	s3 =	simm.s32 $0x108;
	s8 =	sld [smem:$0x3FB0]  }
0x2e: {  	s3 =	simm.s32 @!p0 $0x1082;
	s9 =	sld [smem:$0x3FB1]  }
0x2f: {  	lr =	sadd.s32 s0, s3;
	s0 =	sld [smem:$0x3FA8]  }
0x30: {  	s3 =	sld [smem:$0x3FAB]  }
0x31: {  	[smem:$0x3FB4] =	sst s10  }
0x32: {  	s10 =	sld [smem:$0x3FB2];
	_ =	sdelay $0x3  }
0x33: {  	p0 =	seq.s32 s10, $0x1;
	s10 =	sld [smem:$0x3FB4];
	_ =	sdelay $0x3  }
0x34: {  	[smem:$0x3FB4] =	sst s10  }
0x35: {  	s10 =	sld [smem:$0x3FB3];
	_ =	sdelay $0x3  }
0x36: {  	p1 =	seq.s32 s10, $0x1;
	s10 =	sld [smem:$0x3FB4];
	_ =	sdelay $0x3  }
0x37: {  	[smem:$0x3FB4] =	sst s10  }
0x38: {  	s10 =	sld [smem:$0x3FB5]  }
0x39: {  	_ = 	snop;
	(pc) =	sbr.ind lr, $3  }
0x3a: {  	_ = 	snop  }
0x3b: {  	_ = 	snop  }
0x3c: {  	p2 =	seq.s32 s10, $0x1;
	s10 =	sld [smem:$0x3FB4]  }
0x3d: {  	_ =	shalt  }
0x3e: {  	_ =	shalt  }
0x3f: {  	_ =	shalt  }
0x40: {  	_ =	shalt  }
0x41: {  	_ =	shalt  }
0x42: {  	_ =	shalt  }
0x43: {  	_ =	shalt  }
0x44: {  	_ =	shalt  }
0x45: {  	_ =	shalt  }
0x46: {  	_ =	shalt  }
0x47: {  	_ =	shalt  }
0x48: {  	_ =	shalt  }
0x49: {  	_ =	shalt  }
0x4a: {  	_ =	shalt  }
0x4b: {  	_ =	shalt  }
0x4c: {  	_ =	shalt  }
0x4d: {  	_ =	shalt  }
0x4e: {  	_ =	shalt  }
0x4f: {  	_ =	shalt  }
0x50: {  	_ =	shalt  }
0x51: {  	_ =	shalt  }
0x52: {  	_ =	shalt  }
0x53: {  	_ =	shalt  }
0x54: {  	_ =	shalt  }
0x55: {  	_ =	shalt  }
0x56: {  	_ =	shalt  }
0x57: {  	_ =	shalt  }
0x58: {  	_ =	shalt  }
0x59: {  	_ =	shalt  }
0x5a: {  	_ =	shalt  }
0x5b: {  	_ =	shalt  }
0x5c: {  	_ =	shalt  }
0x5d: {  	_ =	shalt  }
0x5e: {  	_ =	shalt  }
0x5f: {  	_ =	shalt  }
0x60: {  	_ =	shalt  }
0x61: {  	_ =	shalt  }
0x62: {  	_ =	shalt  }
0x63: {  	_ =	shalt  }
0x64: {  	_ =	shalt  }
0x65: {  	_ =	shalt  }
0x66: {  	_ =	shalt  }
0x67: {  	_ =	shalt  }
0x68: {  	_ =	shalt  }
0x69: {  	_ =	shalt  }
0x6a: {  	_ =	shalt  }
0x6b: {  	_ =	shalt  }
0x6c: {  	_ =	shalt  }
0x6d: {  	_ =	shalt  }
0x6e: {  	_ =	shalt  }
0x6f: {  	_ =	shalt  }
0x70: {  	_ =	shalt  }
0x71: {  	_ =	shalt  }
0x72: {  	_ =	shalt  }
0x73: {  	_ =	shalt  }
0x74: {  	_ =	shalt  }
0x75: {  	_ =	shalt  }
0x76: {  	_ =	shalt  }
0x77: {  	_ =	shalt  }
0x78: {  	_ =	shalt  }
0x79: {  	_ =	shalt  }
0x7a: {  	_ =	shalt  }
0x7b: {  	_ =	shalt  }
0x7c: {  	_ =	shalt  }
0x7d: {  	_ =	shalt  }
0x7e: {  	_ =	shalt  }
0x7f: {  	_ =	shalt  }
0x80: {  	_ =	shalt  }
0x81: {  	_ =	shalt  }
0x82: {  	_ =	shalt  }
0x83: {  	_ =	shalt  }
0x84: {  	_ =	shalt  }
0x85: {  	_ =	shalt  }
0x86: {  	_ =	shalt  }
0x87: {  	_ =	shalt  }
.Lfunc_end0:
.L_simem_size_0:
called_computation.1_lowered:
.L_overlay_start_0:
0x88: {  	s2 =	sld [smem:$0x3FD9]  }
0x89: {  	s3 =	sld [smem:$0x3FFE];
	_ =	sdelay $0x1  }
0x8a: {  	s1 =	srdreg.scid  }
0x8b: {  	s0 =	sand.u32 $0x1, s1  }
0x8c: {  	s17 =	sshll.u32 s0, $0xA;
	s2 =	sadd.s32 s3, s2  }
0x8d: {  	s2 =	sadd.s32 s2, s17  }
0x8e: {  	[smem:$0x3FC0] =	sst s2  }
0x8f: {  	_ = 	snop  }
0x90: {  	s2 =	sld [smem:$0x3FD0];
	(tm) =	ssettm $0x1  }
0x91: {  	s18 =	sld [smem:$0x3FFB];
	_ =	sdelay $0x3  }
0x92: {  	_ =	strace s18  }
0x93: {  	s3 =	sld [smem:$0x3FFC];
	_ =	sdelay $0x3  }
0x94: {  	_ =	strace s3  }
0x95: {  	s3 =	sld [smem:$0x3FFD];
	_ =	sdelay $0x3  }
0x96: {  	_ =	strace s3  }
0x97: {  	_ =	strace $0x8FFFFFFF  }
0x98: {  	s19 =	sld [smem:$0x3FDB];
	_ =	sdelay $0x1  }
0x99: {  	s4 =	simm.s32 $_scs_section_size  }
0x9a: {  	s5 =	simm.s32 $_size__tile_overlayer_lowered;
	s6 =	simm.s32 $_tile_overlayer_lowered  }
0x9b: {  	s22 =	simm.s32 $0x1BFF;
	s21 =	sshll.u32 s6, $0x1;
	s3 =	sadd.s32 s4, s19  }
0x9c: {  	s7 =	simm.s32 $0x0;
	s20 =	sshll.u32 s5, $0x1;
	s5 =	sadd.s32 s21, s3  }
0x9d: {  	[timem:s7], [sflag:s22] =	dma.local [hbm:s5], s20  }
0x9e: {  	_ =	swait.ge [sflag:s22], s20  }
0x9f: {  	s4 =	ssub.s32 $0x0, s20;
	[sflag:s22] =	ssyncset.done $0x0  }
0xa0: {  	[sflag:s22] =	ssyncadd.s32 s4;
	_ =	sdelay $0x1  }
0xa1: {  	s23 =	simm.s32 $0x1B8B  }
0xa2: {  	_ =	swait.ge [sflag:s23], $0x1  }
0xa3: {  	[sflag:s23] =	ssyncset.done $0x0  }
0xa4: {  	s25 =	simm.s32 $0x1B8E;
	s24 =	sld [smem:$0x3FFE];
	[sflag:s23] =	ssyncadd.s32 $0xFFFFFFFF  }
0xa5: {  	s26 =	simm.s32 $execute0_lowered;
	[smem:$0x3FD2] =	sst s25  }
0xa6: {  	s5 =	sshll.u32 s26, $0x1;
	_ =	strace $0x80000049;
	[dreg:$0x1] =	wrdreg $0xFFFFFFFF  }
0xa7: {  	s28 =	simm.s32 $_size_execute0_lowered;
	s3 =	sadd.s32 s3, s5;
	[dreg:$0x0] =	wrdreg $0x0  }
0xa8: {  	s5 =	sshll.u32 s28, $0x1;
	[dreg:$0x2] =	wrdreg s3  }
0xa9: {  	[dreg:$0x3] =	wrdreg s5  }
0xaa: {  	[dreg:$0x4] =	wrdreg $0xC0  }
0xab: {  	_ =	task [dreg:s7], $0x5FFFF  }
0xac: {  	[dreg:$0x1] =	wrdreg $0xFFFFFFFF  }
0xad: {  	[dreg:$0x0] =	wrdreg $0x60  }
0xae: {  	[dreg:$0x2] =	wrdreg s2  }
0xaf: {  	[dreg:$0x3] =	wrdreg s24  }
0xb0: {  	[dreg:$0x4] =	wrdreg $0x41000  }
0xb1: {  	[dreg:$0x5] =	wrdreg $0x9  }
0xb2: {  	_ =	task.clear_ibuf [dreg:s7], $0x6FFFF;
	_ =	strace $0x90000049  }
0xb3: {  	s29 =	simm.s32 $0x9;
	_ =	strace $0x8000004B  }
0xb4: {  	_ =	swait.ge [sflag:s29], $0x1  }
0xb5: {  	[sflag:s29] =	ssyncadd.s32 $0xFFFFFFFF  }
0xb6: {  	_ =	strace $0x9000004B  }
0xb7: {  	_ =	sfence  }
0xb8: {  	s30 =	sld [smem:$0x0];
	_ =	sdelay $0x2  }
0xb9: {  	s31 =	sshll.u32 s1, $0xD;
	s1 =	sshrl.u32 s1, $0x2  }
0xba: {  	s3 =	sand.u32 $0x4000, s31;
	s1 =	sadd.s32 s1, s30  }
0xbb: {  	s0 =	sor.u32 s3, s0;
	s1 =	sshll.u32 s1, $0x11  }
0xbc: {  	s0 =	sor.u32 s1, s0  }
0xbd: {  	s0 =	sadd.s32 $0x8F2B, s0  }
0xbe: {  	[sflag:s0] =	ssyncadd.remote.s32 $0x1  }
0xbf: {  	_ =	sfence.sel $0xFFFF  }
0xc0: {  	[dreg:$0x0] =	wrdreg $0xFFFFFFFF;
	(pc) =	sbr.abs _section_cstart, $3  }
0xc1: {  	[dreg:$0x1] =	wrdreg $0xFFFFFFFF  }
0xc2: {  	_ =	task.clear_ibuf [dreg:s7], $0x2FFFF;
	_ =	strace $0x9FFFFFFF  }
0xc3: {  	(tm) =	ssettm $0x7FFFFFFF  }
tec
execute0_lowered:
.L_overlay_start_1:
0x0: {  	(tag) =	ssettag $0x1  }
0x1: {  	s8 =	rddreg [dreg:$0x0]  }
0x2: {  	s5 =	rddreg [dreg:$0x1]  }
0x3: {  	s0 =	srdreg.scid;
	s1 =	stileid.u32  }
0x4: {  	s2 =	rddreg [dreg:$0x2];
	s7 =	smul.u32 $0x14000, s1  }
0x5: {  	s3 =	simm.s32 $0x0;
	s15 =	simm.s32 $0x1;
	s13 =	smul.u32 $0x50000, s1  }
0x6: {  	s6 =	sand.u32 $0x1, s0;
	s0 =	rddreg [dreg:$0x3];
	s30 =	smul.u32 $0x4F0, s1  }
0x7: {  	s16 =	simm.s32 $0x0;
	[smem:$0x7FF] =	sst s3;
	s9 =	smul.u32 $0x4F00, s6  }
0x8: {  	s4 =	sadd.s32 $0xC000, s5;
	s29 =	sshll.u32 s1, $0x6;
	s10 =	smul.u32 $0x140000, s6  }
0x9: {  	_ =	strace $0x8000004A;
	s6 =	ssub.s32 $0x2, s6;
	s12 =	sshrl.u32 s7, $0x3  }
0xa: {  	s26 =	sshrl.u32 s6, $0x1;
	s28 =	sshrl.u32 s13, $0x2;
	s13 =	simm.s32 $0x80  }
0xb: {  	s11 =	sadd.s32 s9, s5;
	s7 =	sadd.s32 s7, s10;
	s12 =	sadd.s32 s12, s5  }
0xc: {  	s10 =	ssub.s32 s6, s26;
	s14 =	sadd.s32 s28, s2;
	s6 =	sor.u32 $0x1C02, s29  }
0xd: {  	s31 =	sadd.s32 s9, s8;
	s7 =	sshrl.u32 s7, $0x3;
	s11 =	sadd.s32 s30, s11  }
0xe: {  	s8 =	smax.u32 s10, $0x1;
	s10 =	sadd.s32 s30, s31;
	s7 =	sadd.s32 s7, s5  }
0xf: {  	s5 =	sadd.s32 $0x33200, s12;
	s9 =	sadd.s32 $0x2200, s11;
	s11 =	sshrl.u32 s14, $0x3  }
0x10: {  	s12 =	simm.s32 $0x2;
	s14 =	simm.s32 $0x100;
	s7 =	sadd.s32 $0x5B200, s7  }
.LBB2_1:
0x11: {  	[spmem:s11], [sflag:s6] =	dma.local [hbm:s5], $0x2800  }
0x12: {  	_ =	swait.ge [sflag:s12], $0x2800  }
0x13: {  	[sflag:s12] =	ssyncset.done $0x0  }
0x14: {  	[sflag:s12] =	ssyncadd.s32 $0xFFFFD800  }
0x15: {  	s17 =	sadd.s32 $0x0, s10;
	[bflag:$0x0] =	sbarrier.arrive $0xFFFF  }
0x16: {  	[tilespmem:s3], [sflag:$0x2] =	stream.linear.gather [hbm4b:s17+s3], $0x80, $0x38;
	[tilespmem:$0x18100] =	vst v63  }
0x17: {  	_ =	swait.ge [sflag:s12], $0x80  }
0x18: {  	[sflag:s12] =	ssyncset.done $0x0  }
0x19: {  	[sflag:s12] =	ssyncadd.s32 $0xFFFFFF80  }
0x1a: {  	[tilespmem:s14], [sflag:$0x1] =	stream.indirect.gather [hbm4b:s4+s13], $0x80, s3, s13, $0xb8;
	[tilespmem:$0x18100] =	vst v63  }
0x1b: {  	s31 =	sadd.s32 $0x0, s9  }
0x1c: {  	[tilespmem:s13], [sflag:$0x2] =	stream.linear.gather [hbm4b:s31+s3], $0x80, $0x38;
	[tilespmem:$0x18100] =	vst v63  }
0x1d: {  	_ =	swait.ge [sflag:s12], $0x80  }
0x1e: {  	[sflag:s12] =	ssyncset.done $0x0  }
0x1f: {  	[sflag:s12] =	ssyncadd.s32 $0xFFFFFF80  }
0x20: {  	_ =	swait.ge [sflag:s15], $0x4000  }
0x21: {  	[sflag:s15] =	ssyncset.done $0x0  }
0x22: {  	[sflag:s15] =	ssyncadd.s32 $0xFFFFC000  }
0x23: {  	[spmem:s2] =	stream.indirect.scatter.add.f32 [tilespmem:s14], [sflag:$0x2], $0x80, s13, s13, $0xb8;
	[tilespmem:$0x18100] =	vst v63  }
0x24: {  	_ =	swait.ge [sflag:s12], $0x4000  }
0x25: {  	s18 =	simm.s32 $0x20;
	s17 =	simm.s32 $0x10;
	[sflag:s12] =	ssyncset.done $0x0  }
.LBB2_2:
0x26: {  	s19 =	sadd.s32 s17, s10  }
0x27: {  	[sflag:s12] =	ssyncadd.s32 $0xFFFFC000;
	s20 =	smov.u32 s18;
	s21 =	sadd.s32 $0x10, s18  }
0x28: {  	[tilespmem:s3], [sflag:$0x2] =	stream.linear.gather [hbm4b:s19+s3], $0x80, $0x38;
	[tilespmem:$0x18100] =	vst v63  }
0x29: {  	p0 =	sne.s32 s18, $0x4E0;
	_ =	swait.ge [sflag:s12], $0x80  }
0x2a: {  	[sflag:s12] =	ssyncset.done $0x0  }
0x2b: {  	[sflag:s12] =	ssyncadd.s32 $0xFFFFFF80  }
0x2c: {  	[tilespmem:s14], [sflag:$0x1] =	stream.indirect.gather [hbm4b:s4+s13], $0x80, s3, s13, $0xb8;
	[tilespmem:$0x18100] =	vst v63  }
0x2d: {  	s18 =	sadd.s32 s17, s9;
	s17 =	smov.u32 s20  }
0x2e: {  	[tilespmem:s13], [sflag:$0x2] =	stream.linear.gather [hbm4b:s18+s3], $0x80, $0x38;
	[tilespmem:$0x18100] =	vst v63  }
0x2f: {  	_ =	swait.ge [sflag:s12], $0x80  }
0x30: {  	[sflag:s12] =	ssyncset.done $0x0  }
0x31: {  	[sflag:s12] =	ssyncadd.s32 $0xFFFFFF80  }
0x32: {  	_ =	swait.ge [sflag:s15], $0x4000  }
.Ltmp0:
0x33: {  	[sflag:s15] =	ssyncset.done $0x0;
	(pc) =	sbr.rel @p0 .LBB2_2-.Ltmp0, $4  }
0x34: {  	[sflag:s15] =	ssyncadd.s32 $0xFFFFC000  }
0x35: {  	[spmem:s2] =	stream.indirect.scatter.add.f32 [tilespmem:s14], [sflag:$0x2], $0x80, s13, s13, $0xb8;
	[tilespmem:$0x18100] =	vst v63  }
0x36: {  	_ =	swait.ge [sflag:s12], $0x4000  }
0x37: {  	s18 =	smov.u32 s21;
	[sflag:s12] =	ssyncset.done $0x0  }
0x38: {  	s18 =	sadd.s32 s17, s10;
	[sflag:s12] =	ssyncadd.s32 $0xFFFFC000  }
0x39: {  	[tilespmem:s3], [sflag:$0x2] =	stream.linear.gather [hbm4b:s18+s3], $0x80, $0x38;
	[tilespmem:$0x18100] =	vst v63  }
0x3a: {  	_ =	swait.ge [sflag:s12], $0x80  }
0x3b: {  	[sflag:s12] =	ssyncset.done $0x0  }
0x3c: {  	[sflag:s12] =	ssyncadd.s32 $0xFFFFFF80  }
0x3d: {  	[tilespmem:s14], [sflag:$0x1] =	stream.indirect.gather [hbm4b:s4+s13], $0x80, s3, s13, $0xb8;
	[tilespmem:$0x18100] =	vst v63  }
0x3e: {  	s31 =	sadd.s32 s17, s9  }
0x3f: {  	[tilespmem:s13], [sflag:$0x2] =	stream.linear.gather [hbm4b:s31+s3], $0x80, $0x38;
	[tilespmem:$0x18100] =	vst v63  }
0x40: {  	_ =	swait.ge [sflag:s12], $0x80  }
0x41: {  	[sflag:s12] =	ssyncset.done $0x0  }
0x42: {  	[sflag:s12] =	ssyncadd.s32 $0xFFFFFF80  }
0x43: {  	_ =	swait.ge [sflag:s15], $0x4000  }
0x44: {  	[sflag:s15] =	ssyncset.done $0x0  }
0x45: {  	[sflag:s15] =	ssyncadd.s32 $0xFFFFC000  }
0x46: {  	[spmem:s2] =	stream.indirect.scatter.add.f32 [tilespmem:s14], [sflag:$0x2], $0x80, s13, s13, $0xb8;
	[tilespmem:$0x18100] =	vst v63  }
0x47: {  	_ =	swait.ge [sflag:s12], $0x4000  }
0x48: {  	s16 =	sadd.s32 $0x1, s16;
	[sflag:s12] =	ssyncset.done $0x0  }
0x49: {  	p0 =	sne.s32 s16, s8;
	[sflag:s12] =	ssyncadd.s32 $0xFFFFC000  }
.Ltmp1:
0x4a: {  	[bflag:$0x0] =	sbarrier.arrive $0xFFFF;
	(pc) =	sbr.rel @p0 .LBB2_1-.Ltmp1, $4  }
0x4b: {  	[hbm:s7], [sflag:s6] =	dma.local [spmem:s11], $0x2800  }
0x4c: {  	_ =	swait.ge [sflag:s12], $0x2800  }
0x4d: {  	[sflag:s12] =	ssyncset.done $0x0  }
0x4e: {  	[sflag:s12] =	ssyncadd.s32 $0xFFFFD800  }
0x4f: {  	_ =	sfence.sel $0x180000  }
0x50: {  	[bflag:$0x0] =	sbarrier.arrive $0xFFFF  }
0x51: {  	p0 =	sne.s32 s1, $0x0;
	_ =	strace $0x9000004A  }
0x52: {  	s0 =	sadd.s32 @!p0 $0x100000, s0;
	[bflag:$0x2] =	sbarrier.arrive $0xFFFF  }
0x53: {  	[sflag:s0] =	ssyncadd.tile.s32 @!p0 $0x1;
	_ =	shalt  }
.Lfunc_end2:
_tile_overlayer_lowered:
.L_overlay_start_2:
0x54: {  	(tag) =	ssettag $0x2  }
0x55: {  	s0 =	rddreg [dreg:$0x0];
	s2 =	stileid.u32  }
0x56: {  	s1 =	rddreg [dreg:$0x1];
	p0 =	sne.s32 s2, $0x0  }
0x57: {  	s3 =	rddreg [dreg:$0x2];
	[bflag:$0x3] =	sbarrier.arrive $0xFFFF;
	s2 =	simm.s32 @!p0 $0x1C02  }
0x58: {  	[timem:s3], [sflag:s2] =	dma.local @!p0 [hbm:s0], s1  }
0x59: {  	s0 =	simm.s32 @!p0 $0x2  }
0x5a: {  	_ =	swait.ge @!p0 [sflag:s0], s1  }
0x5b: {  	s1 =	ssub.s32 @!p0 $0x0, s1;
	[sflag:s0] =	ssyncset.done @!p0 $0x0  }
0x5c: {  	[sflag:s0] =	ssyncadd.s32 @!p0 s1  }
0x5d: {  	[bflag:$0x3] =	sbarrier.arrive $0xFFFF  }
0x5e: {  	_ =	shalt  }

// kernel: kernel.14.cloned.1.call-start
scs
__scs_entry_jumppad:
0x0: {  	(pc) =	sbr.rel $0x88, $3  }
0x1: {  	(tag) =	ssettag $0x0;
	lr =	simm.s32 $0x1  }
0x2: {  	[smem:$0x3F99] =	sst lr;
	_ =	strace $0xD0000000  }
0x3: {  	_ = 	snop  }
0x4: {  	_ = 	snop  }
0x5: {  	_ = 	snop  }
0x6: {  	_ = 	snop  }
0x7: {  	_ = 	snop  }
__scs_overlays_trampoline_lowered:
0x8: {  	[smem:$0x3FA8] =	sst s0  }
0x9: {  	[smem:$0x3FA9] =	sst s1  }
0xa: {  	[smem:$0x3FAA] =	sst s2  }
0xb: {  	[smem:$0x3FAB] =	sst s3  }
0xc: {  	[smem:$0x3FAC] =	sst s4  }
0xd: {  	[smem:$0x3FAD] =	sst s5  }
0xe: {  	[smem:$0x3FAE] =	sst s6  }
0xf: {  	[smem:$0x3FAF] =	sst s7  }
0x10: {  	[smem:$0x3FB0] =	sst s8  }
0x11: {  	[smem:$0x3FB1] =	sst s9;
	s0 =	simm.s32 @!p0 $0x0  }
0x12: {  	s1 =	sld [smem:$0x3F97];
	s0 =	simm.s32 @p0 $0x1  }
0x13: {  	[smem:$0x3FB2] =	sst s0;
	s0 =	simm.s32 @!p1 $0x0  }
0x14: {  	s2 =	sld [smem:$0x3F96];
	s0 =	simm.s32 @p1 $0x1  }
0x15: {  	[smem:$0x3FB3] =	sst s0;
	s0 =	simm.s32 @!p2 $0x0  }
0x16: {  	s3 =	sld [smem:$0x3FDB];
	s0 =	simm.s32 @p2 $0x1  }
0x17: {  	s4 =	simm.s32 $0x1BF5;
	[smem:$0x3FB5] =	sst s0  }
0x18: {  	s0 =	sld [smem:$0x3F98];
	_ =	swait.ge [sflag:s4], $0x0  }
0x19: {  	s7 =	sld [smem:$0x3F99]  }
0x1a: {  	s8 =	sadd.s32 $0xFFFFE003, lr  }
0x1b: {  	s9 =	sadd.s32 $0xFFFFFEF7, lr;
	s5 =	simm.s32 $0xFFFFFFFF;
	p2 =	slt.u32 s8, $0xFFFFF086  }
0x1c: {  	p1 =	slt.u32 s9, $0xF7A;
	s5 =	simm.s32 @!p2 $0x0  }
0x1d: {  	s5 =	simm.s32 @p1 $0x1;
	p0 =	seq.s32 s7, s2  }
0x1e: {  	s7 =	smul.u32 @!p0 $0xF7A, s2;
	p2 =	seq.s32 @!p0 s5, $0x0  }
0x1f: {  	s9 =	smul.u32 $0xF7A, s1;
	s8 =	simm.s32 @!p0 $0x1BF5;
	p2 =	por !p2, p0  }
0x20: {  	[sflag:s8] =	ssyncset.s32 @!p0 $0xFFFFF086;
	s6 =	sadd.s32 @!p0 s3, s7;
	s7 =	simm.s32 @!p0 $0x108  }
0x21: {  	s3 =	sadd.s32 s3, s9;
	s6 =	sadd.s32 @!p0 $0x88, s6;
	s7 =	simm.s32 @p2 $0x1082  }
0x22: {  	[simem:s7], [sflag:s8] =	dma.local @!p0 [hbm:s6], $0xF7A  }
0x23: {  	s9 =	sor.u32 $0xD0000000, s2;
	s6 =	simm.s32 $0x108;
	_ =	swait.ge @!p0 [sflag:s8], $0x0  }
0x24: {  	s3 =	sadd.s32 $0x88, s3;
	s6 =	simm.s32 @!p1 $0x1082;
	[sflag:s4] =	ssyncset.s32 $0xFFFFF086  }
0x25: {  	[simem:s6], [sflag:s4] =	dma.local [hbm:s3], $0xF7A  }
0x26: {  	[smem:$0x3F99] =	sst s1;
	(tag) =	ssettag s2;
	_ =	strace s9  }
0x27: {  	s1 =	sld [smem:$0x3FA9]  }
0x28: {  	s2 =	sld [smem:$0x3FAA]  }
0x29: {  	s4 =	sld [smem:$0x3FAC]  }
0x2a: {  	p0 =	seq.s32 s5, $0x0;
	s5 =	sld [smem:$0x3FAD]  }
0x2b: {  	s6 =	sld [smem:$0x3FAE]  }
0x2c: {  	s7 =	sld [smem:$0x3FAF]  }
0x2d: {  	s3 =	simm.s32 $0x108;
	s8 =	sld [smem:$0x3FB0]  }
0x2e: {  	s3 =	simm.s32 @!p0 $0x1082;
	s9 =	sld [smem:$0x3FB1]  }
0x2f: {  	lr =	sadd.s32 s0, s3;
	s0 =	sld [smem:$0x3FA8]  }
0x30: {  	s3 =	sld [smem:$0x3FAB]  }
0x31: {  	[smem:$0x3FB4] =	sst s10  }
0x32: {  	s10 =	sld [smem:$0x3FB2];
	_ =	sdelay $0x3  }
0x33: {  	p0 =	seq.s32 s10, $0x1;
	s10 =	sld [smem:$0x3FB4];
	_ =	sdelay $0x3  }
0x34: {  	[smem:$0x3FB4] =	sst s10  }
0x35: {  	s10 =	sld [smem:$0x3FB3];
	_ =	sdelay $0x3  }
0x36: {  	p1 =	seq.s32 s10, $0x1;
	s10 =	sld [smem:$0x3FB4];
	_ =	sdelay $0x3  }
0x37: {  	[smem:$0x3FB4] =	sst s10  }
0x38: {  	s10 =	sld [smem:$0x3FB5]  }
0x39: {  	_ = 	snop;
	(pc) =	sbr.ind lr, $3  }
0x3a: {  	_ = 	snop  }
0x3b: {  	_ = 	snop  }
0x3c: {  	p2 =	seq.s32 s10, $0x1;
	s10 =	sld [smem:$0x3FB4]  }
0x3d: {  	_ =	shalt  }
0x3e: {  	_ =	shalt  }
0x3f: {  	_ =	shalt  }
0x40: {  	_ =	shalt  }
0x41: {  	_ =	shalt  }
0x42: {  	_ =	shalt  }
0x43: {  	_ =	shalt  }
0x44: {  	_ =	shalt  }
0x45: {  	_ =	shalt  }
0x46: {  	_ =	shalt  }
0x47: {  	_ =	shalt  }
0x48: {  	_ =	shalt  }
0x49: {  	_ =	shalt  }
0x4a: {  	_ =	shalt  }
0x4b: {  	_ =	shalt  }
0x4c: {  	_ =	shalt  }
0x4d: {  	_ =	shalt  }
0x4e: {  	_ =	shalt  }
0x4f: {  	_ =	shalt  }
0x50: {  	_ =	shalt  }
0x51: {  	_ =	shalt  }
0x52: {  	_ =	shalt  }
0x53: {  	_ =	shalt  }
0x54: {  	_ =	shalt  }
0x55: {  	_ =	shalt  }
0x56: {  	_ =	shalt  }
0x57: {  	_ =	shalt  }
0x58: {  	_ =	shalt  }
0x59: {  	_ =	shalt  }
0x5a: {  	_ =	shalt  }
0x5b: {  	_ =	shalt  }
0x5c: {  	_ =	shalt  }
0x5d: {  	_ =	shalt  }
0x5e: {  	_ =	shalt  }
0x5f: {  	_ =	shalt  }
0x60: {  	_ =	shalt  }
0x61: {  	_ =	shalt  }
0x62: {  	_ =	shalt  }
0x63: {  	_ =	shalt  }
0x64: {  	_ =	shalt  }
0x65: {  	_ =	shalt  }
0x66: {  	_ =	shalt  }
0x67: {  	_ =	shalt  }
0x68: {  	_ =	shalt  }
0x69: {  	_ =	shalt  }
0x6a: {  	_ =	shalt  }
0x6b: {  	_ =	shalt  }
0x6c: {  	_ =	shalt  }
0x6d: {  	_ =	shalt  }
0x6e: {  	_ =	shalt  }
0x6f: {  	_ =	shalt  }
0x70: {  	_ =	shalt  }
0x71: {  	_ =	shalt  }
0x72: {  	_ =	shalt  }
0x73: {  	_ =	shalt  }
0x74: {  	_ =	shalt  }
0x75: {  	_ =	shalt  }
0x76: {  	_ =	shalt  }
0x77: {  	_ =	shalt  }
0x78: {  	_ =	shalt  }
0x79: {  	_ =	shalt  }
0x7a: {  	_ =	shalt  }
0x7b: {  	_ =	shalt  }
0x7c: {  	_ =	shalt  }
0x7d: {  	_ =	shalt  }
0x7e: {  	_ =	shalt  }
0x7f: {  	_ =	shalt  }
0x80: {  	_ =	shalt  }
0x81: {  	_ =	shalt  }
0x82: {  	_ =	shalt  }
0x83: {  	_ =	shalt  }
0x84: {  	_ =	shalt  }
0x85: {  	_ =	shalt  }
0x86: {  	_ =	shalt  }
0x87: {  	_ =	shalt  }
.Lfunc_end0:
.L_simem_size_0:
called_computation.2_lowered:
.L_overlay_start_0:
0x88: {  	s2 =	sld [smem:$0x3FD9]  }
0x89: {  	s3 =	sld [smem:$0x3FFE];
	_ =	sdelay $0x1  }
0x8a: {  	s1 =	srdreg.scid  }
0x8b: {  	s0 =	sand.u32 $0x1, s1  }
0x8c: {  	s17 =	sshll.u32 s0, $0xA;
	s2 =	sadd.s32 s3, s2  }
0x8d: {  	s2 =	sadd.s32 s2, s17  }
0x8e: {  	[smem:$0x3FC0] =	sst s2  }
0x8f: {  	_ = 	snop  }
0x90: {  	s2 =	sld [smem:$0x3FD0];
	(tm) =	ssettm $0x1  }
0x91: {  	s18 =	sld [smem:$0x3FFB];
	_ =	sdelay $0x3  }
0x92: {  	_ =	strace s18  }
0x93: {  	s3 =	sld [smem:$0x3FFC];
	_ =	sdelay $0x3  }
0x94: {  	_ =	strace s3  }
0x95: {  	s3 =	sld [smem:$0x3FFD];
	_ =	sdelay $0x3  }
0x96: {  	_ =	strace s3  }
0x97: {  	_ =	strace $0x8FFFFFFF  }
0x98: {  	s19 =	sld [smem:$0x3FDB];
	_ =	sdelay $0x1  }
0x99: {  	s4 =	simm.s32 $_scs_section_size  }
0x9a: {  	s5 =	simm.s32 $_size__tile_overlayer_lowered;
	s6 =	simm.s32 $_tile_overlayer_lowered  }
0x9b: {  	s22 =	simm.s32 $0x1BFF;
	s21 =	sshll.u32 s6, $0x1;
	s3 =	sadd.s32 s4, s19  }
0x9c: {  	s7 =	simm.s32 $0x0;
	s20 =	sshll.u32 s5, $0x1;
	s5 =	sadd.s32 s21, s3  }
0x9d: {  	[timem:s7], [sflag:s22] =	dma.local [hbm:s5], s20  }
0x9e: {  	_ =	swait.ge [sflag:s22], s20  }
0x9f: {  	s4 =	ssub.s32 $0x0, s20;
	[sflag:s22] =	ssyncset.done $0x0  }
0xa0: {  	[sflag:s22] =	ssyncadd.s32 s4;
	_ =	sdelay $0x1  }
0xa1: {  	s23 =	simm.s32 $0x1B8B  }
0xa2: {  	_ =	swait.ge [sflag:s23], $0x1  }
0xa3: {  	[sflag:s23] =	ssyncset.done $0x0  }
0xa4: {  	s25 =	simm.s32 $0x1B8E;
	s24 =	sld [smem:$0x3FFE];
	[sflag:s23] =	ssyncadd.s32 $0xFFFFFFFF  }
0xa5: {  	s26 =	simm.s32 $execute0_lowered;
	[smem:$0x3FD2] =	sst s25  }
0xa6: {  	s5 =	sshll.u32 s26, $0x1;
	_ =	strace $0x8000004C;
	[dreg:$0x1] =	wrdreg $0xFFFFFFFF  }
0xa7: {  	s28 =	simm.s32 $_size_execute0_lowered;
	s3 =	sadd.s32 s3, s5;
	[dreg:$0x0] =	wrdreg $0x0  }
0xa8: {  	s5 =	sshll.u32 s28, $0x1;
	[dreg:$0x2] =	wrdreg s3  }
0xa9: {  	[dreg:$0x3] =	wrdreg s5  }
0xaa: {  	[dreg:$0x4] =	wrdreg $0xC0  }
0xab: {  	_ =	task [dreg:s7], $0x5FFFF  }
0xac: {  	[dreg:$0x1] =	wrdreg $0xFFFFFFFF  }
0xad: {  	[dreg:$0x0] =	wrdreg $0x60  }
0xae: {  	[dreg:$0x2] =	wrdreg s2  }
0xaf: {  	[dreg:$0x3] =	wrdreg s24  }
0xb0: {  	[dreg:$0x4] =	wrdreg $0x41000  }
0xb1: {  	[dreg:$0x5] =	wrdreg $0x9  }
0xb2: {  	_ =	task.clear_ibuf [dreg:s7], $0x6FFFF;
	_ =	strace $0x9000004C  }
0xb3: {  	s29 =	simm.s32 $0x9;
	_ =	strace $0x8000004E  }
0xb4: {  	_ =	swait.ge [sflag:s29], $0x1  }
0xb5: {  	[sflag:s29] =	ssyncadd.s32 $0xFFFFFFFF  }
0xb6: {  	_ =	strace $0x9000004E  }
0xb7: {  	_ =	sfence  }
0xb8: {  	s30 =	sld [smem:$0x0];
	_ =	sdelay $0x2  }
0xb9: {  	s31 =	sshll.u32 s1, $0xD;
	s1 =	sshrl.u32 s1, $0x2  }
0xba: {  	s3 =	sand.u32 $0x4000, s31;
	s1 =	sadd.s32 s1, s30  }
0xbb: {  	s0 =	sor.u32 s3, s0;
	s1 =	sshll.u32 s1, $0x11  }
0xbc: {  	s0 =	sor.u32 s1, s0  }
0xbd: {  	s0 =	sadd.s32 $0x8F2B, s0  }
0xbe: {  	[sflag:s0] =	ssyncadd.remote.s32 $0x1  }
0xbf: {  	_ =	sfence.sel $0xFFFF  }
0xc0: {  	[dreg:$0x0] =	wrdreg $0xFFFFFFFF;
	(pc) =	sbr.abs _section_cstart, $3  }
0xc1: {  	[dreg:$0x1] =	wrdreg $0xFFFFFFFF  }
0xc2: {  	_ =	task.clear_ibuf [dreg:s7], $0x2FFFF;
	_ =	strace $0x9FFFFFFF  }
0xc3: {  	(tm) =	ssettm $0x7FFFFFFF  }
tec
execute0_lowered:
.L_overlay_start_1:
0x0: {  	(tag) =	ssettag $0x1  }
0x1: {  	s8 =	rddreg [dreg:$0x0]  }
0x2: {  	s5 =	rddreg [dreg:$0x1]  }
0x3: {  	s0 =	srdreg.scid;
	s1 =	stileid.u32  }
0x4: {  	s2 =	rddreg [dreg:$0x2];
	s7 =	smul.u32 $0x14000, s1  }
0x5: {  	s3 =	simm.s32 $0x0;
	s15 =	simm.s32 $0x1;
	s13 =	smul.u32 $0x50000, s1  }
0x6: {  	s6 =	sand.u32 $0x1, s0;
	s0 =	rddreg [dreg:$0x3];
	s30 =	smul.u32 $0x4F0, s1  }
0x7: {  	s16 =	simm.s32 $0x0;
	[smem:$0x7FF] =	sst s3;
	s9 =	smul.u32 $0x4F00, s6  }
0x8: {  	s4 =	sadd.s32 $0xC000, s5;
	s29 =	sshll.u32 s1, $0x6;
	s10 =	smul.u32 $0x140000, s6  }
0x9: {  	_ =	strace $0x8000004D;
	s6 =	ssub.s32 $0x2, s6;
	s12 =	sshrl.u32 s7, $0x3  }
0xa: {  	s26 =	sshrl.u32 s6, $0x1;
	s28 =	sshrl.u32 s13, $0x2;
	s13 =	simm.s32 $0x80  }
0xb: {  	s11 =	sadd.s32 s9, s5;
	s7 =	sadd.s32 s7, s10;
	s12 =	sadd.s32 s12, s5  }
0xc: {  	s10 =	ssub.s32 s6, s26;
	s14 =	sadd.s32 s28, s2;
	s6 =	sor.u32 $0x1C02, s29  }
0xd: {  	s31 =	sadd.s32 s9, s8;
	s7 =	sshrl.u32 s7, $0x3;
	s11 =	sadd.s32 s30, s11  }
0xe: {  	s8 =	smax.u32 s10, $0x1;
	s10 =	sadd.s32 s30, s31;
	s7 =	sadd.s32 s7, s5  }
0xf: {  	s5 =	sadd.s32 $0x33200, s12;
	s9 =	sadd.s32 $0x2200, s11;
	s11 =	sshrl.u32 s14, $0x3  }
0x10: {  	s12 =	simm.s32 $0x2;
	s14 =	simm.s32 $0x100;
	s7 =	sadd.s32 $0x5B200, s7  }
.LBB2_1:
0x11: {  	[spmem:s11], [sflag:s6] =	dma.local [hbm:s5], $0x2800  }
0x12: {  	_ =	swait.ge [sflag:s12], $0x2800  }
0x13: {  	[sflag:s12] =	ssyncset.done $0x0  }
0x14: {  	[sflag:s12] =	ssyncadd.s32 $0xFFFFD800  }
0x15: {  	s17 =	sadd.s32 $0x0, s10;
	[bflag:$0x0] =	sbarrier.arrive $0xFFFF  }
0x16: {  	[tilespmem:s3], [sflag:$0x2] =	stream.linear.gather [hbm4b:s17+s3], $0x80, $0x38;
	[tilespmem:$0x18100] =	vst v63  }
0x17: {  	_ =	swait.ge [sflag:s12], $0x80  }
0x18: {  	[sflag:s12] =	ssyncset.done $0x0  }
0x19: {  	[sflag:s12] =	ssyncadd.s32 $0xFFFFFF80  }
0x1a: {  	[tilespmem:s14], [sflag:$0x1] =	stream.indirect.gather [hbm4b:s4+s13], $0x80, s3, s13, $0xb8;
	[tilespmem:$0x18100] =	vst v63  }
0x1b: {  	s31 =	sadd.s32 $0x0, s9  }
0x1c: {  	[tilespmem:s13], [sflag:$0x2] =	stream.linear.gather [hbm4b:s31+s3], $0x80, $0x38;
	[tilespmem:$0x18100] =	vst v63  }
0x1d: {  	_ =	swait.ge [sflag:s12], $0x80  }
0x1e: {  	[sflag:s12] =	ssyncset.done $0x0  }
0x1f: {  	[sflag:s12] =	ssyncadd.s32 $0xFFFFFF80  }
0x20: {  	_ =	swait.ge [sflag:s15], $0x4000  }
0x21: {  	[sflag:s15] =	ssyncset.done $0x0  }
0x22: {  	[sflag:s15] =	ssyncadd.s32 $0xFFFFC000  }
0x23: {  	[spmem:s2] =	stream.indirect.scatter.add.f32 [tilespmem:s14], [sflag:$0x2], $0x80, s13, s13, $0xb8;
	[tilespmem:$0x18100] =	vst v63  }
0x24: {  	_ =	swait.ge [sflag:s12], $0x4000  }
0x25: {  	s18 =	simm.s32 $0x20;
	s17 =	simm.s32 $0x10;
	[sflag:s12] =	ssyncset.done $0x0  }
.LBB2_2:
0x26: {  	s19 =	sadd.s32 s17, s10  }
0x27: {  	[sflag:s12] =	ssyncadd.s32 $0xFFFFC000;
	s20 =	smov.u32 s18;
	s21 =	sadd.s32 $0x10, s18  }
0x28: {  	[tilespmem:s3], [sflag:$0x2] =	stream.linear.gather [hbm4b:s19+s3], $0x80, $0x38;
	[tilespmem:$0x18100] =	vst v63  }
0x29: {  	p0 =	sne.s32 s18, $0x4E0;
	_ =	swait.ge [sflag:s12], $0x80  }
0x2a: {  	[sflag:s12] =	ssyncset.done $0x0  }
0x2b: {  	[sflag:s12] =	ssyncadd.s32 $0xFFFFFF80  }
0x2c: {  	[tilespmem:s14], [sflag:$0x1] =	stream.indirect.gather [hbm4b:s4+s13], $0x80, s3, s13, $0xb8;
	[tilespmem:$0x18100] =	vst v63  }
0x2d: {  	s18 =	sadd.s32 s17, s9;
	s17 =	smov.u32 s20  }
0x2e: {  	[tilespmem:s13], [sflag:$0x2] =	stream.linear.gather [hbm4b:s18+s3], $0x80, $0x38;
	[tilespmem:$0x18100] =	vst v63  }
0x2f: {  	_ =	swait.ge [sflag:s12], $0x80  }
0x30: {  	[sflag:s12] =	ssyncset.done $0x0  }
0x31: {  	[sflag:s12] =	ssyncadd.s32 $0xFFFFFF80  }
0x32: {  	_ =	swait.ge [sflag:s15], $0x4000  }
.Ltmp0:
0x33: {  	[sflag:s15] =	ssyncset.done $0x0;
	(pc) =	sbr.rel @p0 .LBB2_2-.Ltmp0, $4  }
0x34: {  	[sflag:s15] =	ssyncadd.s32 $0xFFFFC000  }
0x35: {  	[spmem:s2] =	stream.indirect.scatter.add.f32 [tilespmem:s14], [sflag:$0x2], $0x80, s13, s13, $0xb8;
	[tilespmem:$0x18100] =	vst v63  }
0x36: {  	_ =	swait.ge [sflag:s12], $0x4000  }
0x37: {  	s18 =	smov.u32 s21;
	[sflag:s12] =	ssyncset.done $0x0  }
0x38: {  	s18 =	sadd.s32 s17, s10;
	[sflag:s12] =	ssyncadd.s32 $0xFFFFC000  }
0x39: {  	[tilespmem:s3], [sflag:$0x2] =	stream.linear.gather [hbm4b:s18+s3], $0x80, $0x38;
	[tilespmem:$0x18100] =	vst v63  }
0x3a: {  	_ =	swait.ge [sflag:s12], $0x80  }
0x3b: {  	[sflag:s12] =	ssyncset.done $0x0  }
0x3c: {  	[sflag:s12] =	ssyncadd.s32 $0xFFFFFF80  }
0x3d: {  	[tilespmem:s14], [sflag:$0x1] =	stream.indirect.gather [hbm4b:s4+s13], $0x80, s3, s13, $0xb8;
	[tilespmem:$0x18100] =	vst v63  }
0x3e: {  	s31 =	sadd.s32 s17, s9  }
0x3f: {  	[tilespmem:s13], [sflag:$0x2] =	stream.linear.gather [hbm4b:s31+s3], $0x80, $0x38;
	[tilespmem:$0x18100] =	vst v63  }
0x40: {  	_ =	swait.ge [sflag:s12], $0x80  }
0x41: {  	[sflag:s12] =	ssyncset.done $0x0  }
0x42: {  	[sflag:s12] =	ssyncadd.s32 $0xFFFFFF80  }
0x43: {  	_ =	swait.ge [sflag:s15], $0x4000  }
0x44: {  	[sflag:s15] =	ssyncset.done $0x0  }
0x45: {  	[sflag:s15] =	ssyncadd.s32 $0xFFFFC000  }
0x46: {  	[spmem:s2] =	stream.indirect.scatter.add.f32 [tilespmem:s14], [sflag:$0x2], $0x80, s13, s13, $0xb8;
	[tilespmem:$0x18100] =	vst v63  }
0x47: {  	_ =	swait.ge [sflag:s12], $0x4000  }
0x48: {  	s16 =	sadd.s32 $0x1, s16;
	[sflag:s12] =	ssyncset.done $0x0  }
0x49: {  	p0 =	sne.s32 s16, s8;
	[sflag:s12] =	ssyncadd.s32 $0xFFFFC000  }
.Ltmp1:
0x4a: {  	[bflag:$0x0] =	sbarrier.arrive $0xFFFF;
	(pc) =	sbr.rel @p0 .LBB2_1-.Ltmp1, $4  }
0x4b: {  	[hbm:s7], [sflag:s6] =	dma.local [spmem:s11], $0x2800  }
0x4c: {  	_ =	swait.ge [sflag:s12], $0x2800  }
0x4d: {  	[sflag:s12] =	ssyncset.done $0x0  }
0x4e: {  	[sflag:s12] =	ssyncadd.s32 $0xFFFFD800  }
0x4f: {  	_ =	sfence.sel $0x180000  }
0x50: {  	[bflag:$0x0] =	sbarrier.arrive $0xFFFF  }
0x51: {  	p0 =	sne.s32 s1, $0x0;
	_ =	strace $0x9000004D  }
0x52: {  	s0 =	sadd.s32 @!p0 $0x100000, s0;
	[bflag:$0x2] =	sbarrier.arrive $0xFFFF  }
0x53: {  	[sflag:s0] =	ssyncadd.tile.s32 @!p0 $0x1;
	_ =	shalt  }
.Lfunc_end2:
_tile_overlayer_lowered:
.L_overlay_start_2:
0x54: {  	(tag) =	ssettag $0x2  }
0x55: {  	s0 =	rddreg [dreg:$0x0];
	s2 =	stileid.u32  }
0x56: {  	s1 =	rddreg [dreg:$0x1];
	p0 =	sne.s32 s2, $0x0  }
0x57: {  	s3 =	rddreg [dreg:$0x2];
	[bflag:$0x3] =	sbarrier.arrive $0xFFFF;
	s2 =	simm.s32 @!p0 $0x1C02  }
0x58: {  	[timem:s3], [sflag:s2] =	dma.local @!p0 [hbm:s0], s1  }
0x59: {  	s0 =	simm.s32 @!p0 $0x2  }
0x5a: {  	_ =	swait.ge @!p0 [sflag:s0], s1  }
0x5b: {  	s1 =	ssub.s32 @!p0 $0x0, s1;
	[sflag:s0] =	ssyncset.done @!p0 $0x0  }
0x5c: {  	[sflag:s0] =	ssyncadd.s32 @!p0 s1  }
0x5d: {  	[bflag:$0x3] =	sbarrier.arrive $0xFFFF  }
0x5e: {  	_ =	shalt  }

// kernel: kernel.8.cloned.1.call-start
scs
__scs_entry_jumppad:
0x0: {  	(pc) =	sbr.rel $0x88, $3  }
0x1: {  	(tag) =	ssettag $0x0;
	lr =	simm.s32 $0x1  }
0x2: {  	[smem:$0x3F99] =	sst lr;
	_ =	strace $0xD0000000  }
0x3: {  	_ = 	snop  }
0x4: {  	_ = 	snop  }
0x5: {  	_ = 	snop  }
0x6: {  	_ = 	snop  }
0x7: {  	_ = 	snop  }
__scs_overlays_trampoline_lowered:
0x8: {  	[smem:$0x3FA8] =	sst s0  }
0x9: {  	[smem:$0x3FA9] =	sst s1  }
0xa: {  	[smem:$0x3FAA] =	sst s2  }
0xb: {  	[smem:$0x3FAB] =	sst s3  }
0xc: {  	[smem:$0x3FAC] =	sst s4  }
0xd: {  	[smem:$0x3FAD] =	sst s5  }
0xe: {  	[smem:$0x3FAE] =	sst s6  }
0xf: {  	[smem:$0x3FAF] =	sst s7  }
0x10: {  	[smem:$0x3FB0] =	sst s8  }
0x11: {  	[smem:$0x3FB1] =	sst s9;
	s0 =	simm.s32 @!p0 $0x0  }
0x12: {  	s1 =	sld [smem:$0x3F97];
	s0 =	simm.s32 @p0 $0x1  }
0x13: {  	[smem:$0x3FB2] =	sst s0;
	s0 =	simm.s32 @!p1 $0x0  }
0x14: {  	s2 =	sld [smem:$0x3F96];
	s0 =	simm.s32 @p1 $0x1  }
0x15: {  	[smem:$0x3FB3] =	sst s0;
	s0 =	simm.s32 @!p2 $0x0  }
0x16: {  	s3 =	sld [smem:$0x3FDB];
	s0 =	simm.s32 @p2 $0x1  }
0x17: {  	s4 =	simm.s32 $0x1BF5;
	[smem:$0x3FB5] =	sst s0  }
0x18: {  	s0 =	sld [smem:$0x3F98];
	_ =	swait.ge [sflag:s4], $0x0  }
0x19: {  	s7 =	sld [smem:$0x3F99]  }
0x1a: {  	s8 =	sadd.s32 $0xFFFFE003, lr  }
0x1b: {  	s9 =	sadd.s32 $0xFFFFFEF7, lr;
	s5 =	simm.s32 $0xFFFFFFFF;
	p2 =	slt.u32 s8, $0xFFFFF086  }
0x1c: {  	p1 =	slt.u32 s9, $0xF7A;
	s5 =	simm.s32 @!p2 $0x0  }
0x1d: {  	s5 =	simm.s32 @p1 $0x1;
	p0 =	seq.s32 s7, s2  }
0x1e: {  	s7 =	smul.u32 @!p0 $0xF7A, s2;
	p2 =	seq.s32 @!p0 s5, $0x0  }
0x1f: {  	s9 =	smul.u32 $0xF7A, s1;
	s8 =	simm.s32 @!p0 $0x1BF5;
	p2 =	por !p2, p0  }
0x20: {  	[sflag:s8] =	ssyncset.s32 @!p0 $0xFFFFF086;
	s6 =	sadd.s32 @!p0 s3, s7;
	s7 =	simm.s32 @!p0 $0x108  }
0x21: {  	s3 =	sadd.s32 s3, s9;
	s6 =	sadd.s32 @!p0 $0x88, s6;
	s7 =	simm.s32 @p2 $0x1082  }
0x22: {  	[simem:s7], [sflag:s8] =	dma.local @!p0 [hbm:s6], $0xF7A  }
0x23: {  	s9 =	sor.u32 $0xD0000000, s2;
	s6 =	simm.s32 $0x108;
	_ =	swait.ge @!p0 [sflag:s8], $0x0  }
0x24: {  	s3 =	sadd.s32 $0x88, s3;
	s6 =	simm.s32 @!p1 $0x1082;
	[sflag:s4] =	ssyncset.s32 $0xFFFFF086  }
0x25: {  	[simem:s6], [sflag:s4] =	dma.local [hbm:s3], $0xF7A  }
0x26: {  	[smem:$0x3F99] =	sst s1;
	(tag) =	ssettag s2;
	_ =	strace s9  }
0x27: {  	s1 =	sld [smem:$0x3FA9]  }
0x28: {  	s2 =	sld [smem:$0x3FAA]  }
0x29: {  	s4 =	sld [smem:$0x3FAC]  }
0x2a: {  	p0 =	seq.s32 s5, $0x0;
	s5 =	sld [smem:$0x3FAD]  }
0x2b: {  	s6 =	sld [smem:$0x3FAE]  }
0x2c: {  	s7 =	sld [smem:$0x3FAF]  }
0x2d: {  	s3 =	simm.s32 $0x108;
	s8 =	sld [smem:$0x3FB0]  }
0x2e: {  	s3 =	simm.s32 @!p0 $0x1082;
	s9 =	sld [smem:$0x3FB1]  }
0x2f: {  	lr =	sadd.s32 s0, s3;
	s0 =	sld [smem:$0x3FA8]  }
0x30: {  	s3 =	sld [smem:$0x3FAB]  }
0x31: {  	[smem:$0x3FB4] =	sst s10  }
0x32: {  	s10 =	sld [smem:$0x3FB2];
	_ =	sdelay $0x3  }
0x33: {  	p0 =	seq.s32 s10, $0x1;
	s10 =	sld [smem:$0x3FB4];
	_ =	sdelay $0x3  }
0x34: {  	[smem:$0x3FB4] =	sst s10  }
0x35: {  	s10 =	sld [smem:$0x3FB3];
	_ =	sdelay $0x3  }
0x36: {  	p1 =	seq.s32 s10, $0x1;
	s10 =	sld [smem:$0x3FB4];
	_ =	sdelay $0x3  }
0x37: {  	[smem:$0x3FB4] =	sst s10  }
0x38: {  	s10 =	sld [smem:$0x3FB5]  }
0x39: {  	_ = 	snop;
	(pc) =	sbr.ind lr, $3  }
0x3a: {  	_ = 	snop  }
0x3b: {  	_ = 	snop  }
0x3c: {  	p2 =	seq.s32 s10, $0x1;
	s10 =	sld [smem:$0x3FB4]  }
0x3d: {  	_ =	shalt  }
0x3e: {  	_ =	shalt  }
0x3f: {  	_ =	shalt  }
0x40: {  	_ =	shalt  }
0x41: {  	_ =	shalt  }
0x42: {  	_ =	shalt  }
0x43: {  	_ =	shalt  }
0x44: {  	_ =	shalt  }
0x45: {  	_ =	shalt  }
0x46: {  	_ =	shalt  }
0x47: {  	_ =	shalt  }
0x48: {  	_ =	shalt  }
0x49: {  	_ =	shalt  }
0x4a: {  	_ =	shalt  }
0x4b: {  	_ =	shalt  }
0x4c: {  	_ =	shalt  }
0x4d: {  	_ =	shalt  }
0x4e: {  	_ =	shalt  }
0x4f: {  	_ =	shalt  }
0x50: {  	_ =	shalt  }
0x51: {  	_ =	shalt  }
0x52: {  	_ =	shalt  }
0x53: {  	_ =	shalt  }
0x54: {  	_ =	shalt  }
0x55: {  	_ =	shalt  }
0x56: {  	_ =	shalt  }
0x57: {  	_ =	shalt  }
0x58: {  	_ =	shalt  }
0x59: {  	_ =	shalt  }
0x5a: {  	_ =	shalt  }
0x5b: {  	_ =	shalt  }
0x5c: {  	_ =	shalt  }
0x5d: {  	_ =	shalt  }
0x5e: {  	_ =	shalt  }
0x5f: {  	_ =	shalt  }
0x60: {  	_ =	shalt  }
0x61: {  	_ =	shalt  }
0x62: {  	_ =	shalt  }
0x63: {  	_ =	shalt  }
0x64: {  	_ =	shalt  }
0x65: {  	_ =	shalt  }
0x66: {  	_ =	shalt  }
0x67: {  	_ =	shalt  }
0x68: {  	_ =	shalt  }
0x69: {  	_ =	shalt  }
0x6a: {  	_ =	shalt  }
0x6b: {  	_ =	shalt  }
0x6c: {  	_ =	shalt  }
0x6d: {  	_ =	shalt  }
0x6e: {  	_ =	shalt  }
0x6f: {  	_ =	shalt  }
0x70: {  	_ =	shalt  }
0x71: {  	_ =	shalt  }
0x72: {  	_ =	shalt  }
0x73: {  	_ =	shalt  }
0x74: {  	_ =	shalt  }
0x75: {  	_ =	shalt  }
0x76: {  	_ =	shalt  }
0x77: {  	_ =	shalt  }
0x78: {  	_ =	shalt  }
0x79: {  	_ =	shalt  }
0x7a: {  	_ =	shalt  }
0x7b: {  	_ =	shalt  }
0x7c: {  	_ =	shalt  }
0x7d: {  	_ =	shalt  }
0x7e: {  	_ =	shalt  }
0x7f: {  	_ =	shalt  }
0x80: {  	_ =	shalt  }
0x81: {  	_ =	shalt  }
0x82: {  	_ =	shalt  }
0x83: {  	_ =	shalt  }
0x84: {  	_ =	shalt  }
0x85: {  	_ =	shalt  }
0x86: {  	_ =	shalt  }
0x87: {  	_ =	shalt  }
.Lfunc_end0:
.L_simem_size_0:
called_computation_lowered:
.L_overlay_start_0:
0x88: {  	s2 =	sld [smem:$0x3FD9]  }
0x89: {  	s3 =	sld [smem:$0x3FFE];
	_ =	sdelay $0x1  }
0x8a: {  	s1 =	srdreg.scid  }
0x8b: {  	s0 =	sand.u32 $0x1, s1  }
0x8c: {  	s16 =	sshll.u32 s0, $0xA;
	s2 =	sadd.s32 s3, s2  }
0x8d: {  	s2 =	sadd.s32 s2, s16  }
0x8e: {  	[smem:$0x3FC0] =	sst s2  }
0x8f: {  	_ = 	snop  }
0x90: {  	(tm) =	ssettm $0x1  }
0x91: {  	s17 =	sld [smem:$0x3FFB];
	_ =	sdelay $0x3  }
0x92: {  	_ =	strace s17  }
0x93: {  	s2 =	sld [smem:$0x3FFC];
	_ =	sdelay $0x3  }
0x94: {  	_ =	strace s2  }
0x95: {  	s2 =	sld [smem:$0x3FFD];
	_ =	sdelay $0x3  }
0x96: {  	_ =	strace s2  }
0x97: {  	_ =	strace $0x8FFFFFFF  }
0x98: {  	s18 =	sld [smem:$0x3FDB];
	_ =	sdelay $0x1  }
0x99: {  	s19 =	simm.s32 $_scs_section_size  }
0x9a: {  	s4 =	simm.s32 $_size__tile_overlayer_lowered;
	s5 =	simm.s32 $_tile_overlayer_lowered  }
0x9b: {  	s22 =	simm.s32 $0x1BFF;
	s21 =	sshll.u32 s5, $0x1;
	s2 =	sadd.s32 s19, s18  }
0x9c: {  	s6 =	simm.s32 $0x0;
	s20 =	sshll.u32 s4, $0x1;
	s4 =	sadd.s32 s21, s2  }
0x9d: {  	[timem:s6], [sflag:s22] =	dma.local [hbm:s4], s20  }
0x9e: {  	_ =	swait.ge [sflag:s22], s20  }
0x9f: {  	s3 =	ssub.s32 $0x0, s20;
	[sflag:s22] =	ssyncset.done $0x0  }
0xa0: {  	[sflag:s22] =	ssyncadd.s32 s3;
	_ =	sdelay $0x1  }
0xa1: {  	s23 =	simm.s32 $0x1B8B  }
0xa2: {  	_ =	swait.ge [sflag:s23], $0x1  }
0xa3: {  	[sflag:s23] =	ssyncset.done $0x0  }
0xa4: {  	s25 =	simm.s32 $0x1B8E;
	s24 =	sld [smem:$0x3FFE];
	[sflag:s23] =	ssyncadd.s32 $0xFFFFFFFF  }
0xa5: {  	s26 =	simm.s32 $execute0_lowered;
	[smem:$0x3FD2] =	sst s25  }
0xa6: {  	s4 =	sshll.u32 s26, $0x1;
	_ =	strace $0x80000046;
	[dreg:$0x1] =	wrdreg $0xFFFFFFFF  }
0xa7: {  	s28 =	simm.s32 $_size_execute0_lowered;
	s2 =	sadd.s32 s2, s4;
	[dreg:$0x0] =	wrdreg $0x0  }
0xa8: {  	s4 =	sshll.u32 s28, $0x1;
	[dreg:$0x2] =	wrdreg s2  }
0xa9: {  	[dreg:$0x3] =	wrdreg s4  }
0xaa: {  	[dreg:$0x4] =	wrdreg $0xC0  }
0xab: {  	_ =	task [dreg:s6], $0x5FFFF  }
0xac: {  	[dreg:$0x1] =	wrdreg $0xFFFFFFFF  }
0xad: {  	[dreg:$0x0] =	wrdreg $0x60  }
0xae: {  	[dreg:$0x2] =	wrdreg s24  }
0xaf: {  	[dreg:$0x3] =	wrdreg $0x1000  }
0xb0: {  	[dreg:$0x4] =	wrdreg $0x9  }
0xb1: {  	_ =	task.clear_ibuf [dreg:s6], $0x5FFFF;
	_ =	strace $0x90000046  }
0xb2: {  	s29 =	simm.s32 $0x9;
	_ =	strace $0x80000048  }
0xb3: {  	_ =	swait.ge [sflag:s29], $0x1  }
0xb4: {  	[sflag:s29] =	ssyncadd.s32 $0xFFFFFFFF  }
0xb5: {  	_ =	strace $0x90000048  }
0xb6: {  	_ =	sfence  }
0xb7: {  	s30 =	sld [smem:$0x0];
	_ =	sdelay $0x2  }
0xb8: {  	s31 =	sshll.u32 s1, $0xD;
	s1 =	sshrl.u32 s1, $0x2  }
0xb9: {  	s3 =	sand.u32 $0x4000, s31;
	s1 =	sadd.s32 s1, s30  }
0xba: {  	s0 =	sor.u32 s3, s0;
	s1 =	sshll.u32 s1, $0x11  }
0xbb: {  	s0 =	sor.u32 s1, s0  }
0xbc: {  	s0 =	sadd.s32 $0x8F2B, s0  }
0xbd: {  	[sflag:s0] =	ssyncadd.remote.s32 $0x1  }
0xbe: {  	_ =	sfence.sel $0xFFFF  }
0xbf: {  	[dreg:$0x0] =	wrdreg $0xFFFFFFFF;
	(pc) =	sbr.abs _section_cstart, $3  }
0xc0: {  	[dreg:$0x1] =	wrdreg $0xFFFFFFFF  }
0xc1: {  	_ =	task.clear_ibuf [dreg:s6], $0x2FFFF;
	_ =	strace $0x9FFFFFFF  }
0xc2: {  	(tm) =	ssettm $0x7FFFFFFF  }
0xc3: {  	_ =	shalt  }
tec
execute0_lowered:
.L_overlay_start_1:
0x0: {  	(tag) =	ssettag $0x1  }
0x1: {  	s4 =	rddreg [dreg:$0x0];
	s0 =	srdreg.scid  }
0x2: {  	s2 =	rddreg [dreg:$0x1];
	s1 =	stileid.u32  }
0x3: {  	s3 =	simm.s32 $0x0;
	s13 =	simm.s32 $0x10;
	s7 =	smul.u32 $0x280, s1  }
0x4: {  	s5 =	sand.u32 $0x1, s0;
	s0 =	rddreg [dreg:$0x2];
	s8 =	smul.u32 $0x500, s1  }
0x5: {  	s14 =	simm.s32 $0x0;
	[smem:$0x7FF] =	sst s3;
	s29 =	smul.u32 $0x4F0, s1  }
0x6: {  	s30 =	sshll.u32 s1, $0x6;
	s6 =	smul.u32 $0x4F00, s5;
	_ =	strace $0x80000047  }
0x7: {  	s9 =	sshll.u32 s5, $0x7;
	s5 =	ssub.s32 $0x2, s5;
	s10 =	sshrl.u32 s7, $0x3  }
0x8: {  	s8 =	sor.u32 s9, s8;
	s28 =	sshrl.u32 s5, $0x1;
	s12 =	sadd.s32 s7, s2  }
0x9: {  	s6 =	sadd.s32 s6, s4;
	s26 =	sadd.s32 s10, s4;
	s8 =	sshrl.u32 s8, $0x3  }
0xa: {  	s11 =	ssub.s32 s5, s28;
	s5 =	sor.u32 $0x1C01, s30;
	s9 =	sshrl.u32 s12, $0x3  }
0xb: {  	s10 =	simm.s32 $0x1;
	s12 =	simm.s32 $0x20;
	s8 =	sadd.s32 s8, s4  }
0xc: {  	s4 =	sadd.s32 $0xC000, s26;
	s31 =	sadd.s32 s29, s6;
	s7 =	smax.u32 s11, $0x1  }
0xd: {  	v0 =	vimm.f32 $1.000000000e+00;
	s11 =	simm.s32 $0x80;
	s6 =	sadd.s32 $0xC600, s8;
	s8 =	sadd.s32 $0x2200, s31  }
.LBB2_1:
0xe: {  	[tilespmem:$0x80] =	vst v0  }
0xf: {  	[tilespmem:$0x90] =	vst v0  }
0x10: {  	[tilespmem:$0xA0] =	vst v0  }
0x11: {  	[tilespmem:$0xB0] =	vst v0  }
0x12: {  	[tilespmem:$0xC0] =	vst v0  }
0x13: {  	[tilespmem:$0xD0] =	vst v0  }
0x14: {  	[tilespmem:$0xE0] =	vst v0  }
0x15: {  	[tilespmem:$0xF0] =	vst v0  }
0x16: {  	[spmem:s9], [sflag:s5] =	dma.local [hbm:s4], $0x50  }
0x17: {  	_ =	swait.ge [sflag:s10], $0x50  }
0x18: {  	[sflag:s10] =	ssyncset.done $0x0  }
0x19: {  	[sflag:s10] =	ssyncadd.s32 $0xFFFFFFB0  }
0x1a: {  	s15 =	sadd.s32 $0x0, s8;
	[bflag:$0x0] =	sbarrier.arrive $0xFFFF  }
0x1b: {  	[tilespmem:s3], [sflag:$0x1] =	stream.linear.gather [hbm4b:s15+s3], $0x80, $0x38;
	[tilespmem:$0x380] =	vst v63  }
0x1c: {  	_ =	swait.ge [sflag:s10], $0x80  }
0x1d: {  	[sflag:s10] =	ssyncset.done $0x0  }
0x1e: {  	[sflag:s10] =	ssyncadd.s32 $0xFFFFFF80  }
0x1f: {  	[spmem:s2] =	stream.indirect.scatter.add.f32 [tilespmem:s11], [sflag:$0x1], $0x1, s3, s11, $0xb8;
	[tilespmem:$0x380] =	vst v63  }
0x20: {  	_ =	swait.ge [sflag:s10], $0x80  }
0x21: {  	s16 =	simm.s32 $0x20;
	s15 =	simm.s32 $0x10;
	[sflag:s10] =	ssyncset.done $0x0  }
.LBB2_2:
0x22: {  	s17 =	sadd.s32 s15, s8  }
0x23: {  	[sflag:s10] =	ssyncadd.s32 $0xFFFFFF80;
	s15 =	smov.u32 s16;
	s18 =	sadd.s32 $0x10, s16  }
0x24: {  	[tilespmem:s3], [sflag:$0x1] =	stream.linear.gather [hbm4b:s17+s3], $0x80, $0x38;
	[tilespmem:$0x380] =	vst v63  }
0x25: {  	p0 =	sne.s32 s16, $0x4E0;
	_ =	swait.ge [sflag:s10], $0x80  }
.Ltmp0:
0x26: {  	[sflag:s10] =	ssyncset.done $0x0;
	(pc) =	sbr.rel @p0 .LBB2_2-.Ltmp0, $4  }
0x27: {  	[sflag:s10] =	ssyncadd.s32 $0xFFFFFF80  }
0x28: {  	[spmem:s2] =	stream.indirect.scatter.add.f32 [tilespmem:s11], [sflag:$0x1], $0x1, s3, s11, $0xb8;
	[tilespmem:$0x380] =	vst v63  }
0x29: {  	_ =	swait.ge [sflag:s10], $0x80  }
0x2a: {  	s16 =	smov.u32 s18;
	[sflag:s10] =	ssyncset.done $0x0  }
0x2b: {  	s15 =	sadd.s32 s15, s8;
	[sflag:s10] =	ssyncadd.s32 $0xFFFFFF80  }
0x2c: {  	[tilespmem:s3], [sflag:$0x1] =	stream.linear.gather [hbm4b:s15+s3], $0x80, $0x38;
	[tilespmem:$0x380] =	vst v63  }
0x2d: {  	_ =	swait.ge [sflag:s10], $0x80  }
0x2e: {  	[sflag:s10] =	ssyncset.done $0x0  }
0x2f: {  	[sflag:s10] =	ssyncadd.s32 $0xFFFFFF80  }
0x30: {  	[spmem:s2] =	stream.indirect.scatter.add.f32 [tilespmem:s11], [sflag:$0x1], $0x1, s3, s11, $0xb8;
	[tilespmem:$0x380] =	vst v63  }
0x31: {  	_ =	swait.ge [sflag:s10], $0x80  }
0x32: {  	s14 =	sadd.s32 $0x1, s14;
	[sflag:s10] =	ssyncset.done $0x0  }
0x33: {  	p0 =	sne.s32 s14, s7;
	[sflag:s10] =	ssyncadd.s32 $0xFFFFFF80  }
.Ltmp1:
0x34: {  	[bflag:$0x0] =	sbarrier.arrive $0xFFFF;
	(pc) =	sbr.rel @p0 .LBB2_1-.Ltmp1, $4  }
0x35: {  	[hbm:s6@s12], [sflag:s5] =	dma.strided [spmem:s9@s13], $0x50, s10, $0x10   }
0x36: {  	_ =	swait.ge [sflag:s10], $0x50  }
0x37: {  	[sflag:s10] =	ssyncset.done $0x0  }
0x38: {  	[sflag:s10] =	ssyncadd.s32 $0xFFFFFFB0  }
0x39: {  	_ =	sfence.sel $0x180000  }
0x3a: {  	[bflag:$0x0] =	sbarrier.arrive $0xFFFF  }
0x3b: {  	p0 =	sne.s32 s1, $0x0;
	_ =	strace $0x90000047  }
0x3c: {  	s0 =	sadd.s32 @!p0 $0x100000, s0;
	[bflag:$0x2] =	sbarrier.arrive $0xFFFF  }
0x3d: {  	[sflag:s0] =	ssyncadd.tile.s32 @!p0 $0x1;
	_ =	shalt  }
.Lfunc_end2:
_tile_overlayer_lowered:
.L_overlay_start_2:
0x3e: {  	(tag) =	ssettag $0x2  }
0x3f: {  	s0 =	rddreg [dreg:$0x0];
	s2 =	stileid.u32  }
0x40: {  	s1 =	rddreg [dreg:$0x1];
	p0 =	sne.s32 s2, $0x0  }
0x41: {  	s3 =	rddreg [dreg:$0x2];
	[bflag:$0x3] =	sbarrier.arrive $0xFFFF;
	s2 =	simm.s32 @!p0 $0x1C01  }
0x42: {  	[timem:s3], [sflag:s2] =	dma.local @!p0 [hbm:s0], s1  }
0x43: {  	s0 =	simm.s32 @!p0 $0x1  }
0x44: {  	_ =	swait.ge @!p0 [sflag:s0], s1  }
0x45: {  	s1 =	ssub.s32 @!p0 $0x0, s1;
	[sflag:s0] =	ssyncset.done @!p0 $0x0  }
0x46: {  	[sflag:s0] =	ssyncadd.s32 @!p0 s1  }
0x47: {  	[bflag:$0x3] =	sbarrier.arrive $0xFFFF  }
0x48: {  	_ =	shalt  }

</sc_bundles>
